<compile_context>
chip_gen: v7x
topology: tpu7x:2x2x1
jax: 0.10.2.dev20260603
libtpu: 0.0.44.dev20260713+nightly
codegen_flags: <defaults>
</compile_context>

<pallas_src>
import functools

import jax
import jax.numpy as jnp
from jax import lax
from jax.experimental import pallas as pl
from jax.experimental.pallas import tpu as pltpu
from jax.experimental.pallas import tpu_sc as plsc

NC, NS = 2, 16
NW = NC * NS
BB = 128


def _make_kernel(batch, seq, D):
    n_tc = batch // BB
    n_tr = D // 8
    b_per_w = BB * seq
    mesh = plsc.VectorSubcoreMesh(
        core_axis_name="c", subcore_axis_name="s", num_cores=NC, num_subcores=NS
    )

    @functools.partial(
        pl.kernel,
        out_type=jax.ShapeDtypeStruct((seq, n_tr, n_tc, 8, BB), jnp.float32),
        mesh=mesh,
        scratch_types=[
            pltpu.VMEM((b_per_w,), jnp.int32),
            pltpu.VMEM((seq, BB), jnp.int32),
            pltpu.VMEM((4, BB, D), jnp.float32),
            pltpu.VMEM((2, n_tr, 8, BB + 1), jnp.float32),
            pltpu.SemaphoreType.DMA,
            pltpu.SemaphoreType.DMA,
        ],
        compiler_params=pltpu.CompilerParams(
            use_tc_tiling_on_sc=False, needs_layout_passes=False
        ),
    )
    def emb_kernel(idx_hbm, table_hbm, out_hbm, idx_v, idsT, gbuf, tbuf, gsem, ssem):
        wid = lax.axis_index("s") * NC + lax.axis_index("c")
        base = wid * b_per_w
        pltpu.sync_copy(idx_hbm.at[pl.ds(base, b_per_w)], idx_v)

        lane = lax.iota(jnp.int32, 16)
        biota = lane * seq
        pvecs = [lane + 16 * p for p in range(D // 16)]
        trvecs = [lax.shift_right_logical(pvecs[p], 3) for p in range(D // 16)]
        jrvecs = [lax.bitwise_and(pvecs[p], 7) for p in range(D // 16)]

        @plsc.parallel_loop(0, seq, step=1, unroll=2)
        def _ids_body(s):
            for k in range(BB // 16):
                v = plsc.load_gather(idx_v, [biota + (16 * k * seq + s)])
                idsT[s, pl.ds(16 * k, 16)] = v

        def start_gather(s):
            pltpu.async_copy(table_hbm.at[idsT.at[s]], gbuf.at[s % 4], gsem)

        def wait_gather_one():
            pltpu.make_async_copy(
                table_hbm.at[pl.ds(0, BB)], gbuf.at[0], gsem
            ).wait()

        def wait_store_unit():
            pltpu.make_async_copy(
                tbuf.at[0, :, :, pl.ds(0, BB)], out_hbm.at[0, :, 0], ssem
            ).wait()

        def transpose_block(s, h):
            g = s % 4
            @plsc.parallel_loop(0, BB, step=1, unroll=8)
            def _t_body(t):
                tvec = jnp.full((16,), 0, jnp.int32) + t
                for p in range(D // 16):
                    v = gbuf[g, t, pl.ds(16 * p, 16)]
                    plsc.store_scatter(tbuf.at[h], [trvecs[p], jrvecs[p], tvec], v)

        def start_store(s, h):
            pltpu.async_copy(
                tbuf.at[h, :, :, pl.ds(0, BB)],
                out_hbm.at[s, :, wid],
                ssem,
            )

        start_gather(0)
        start_gather(1)
        start_gather(2)

        def step(s, h):
            wait_gather_one()

            @pl.when(s < seq - 3)
            def _():
                start_gather(s + 3)

            transpose_block(s, h)

            @pl.when(s >= 2)
            def _():
                wait_store_unit()

            start_store(s, h)

        def main_body(i, carry):
            step(2 * i, 0)
            step(2 * i + 1, 1)
            return carry

        lax.fori_loop(0, seq // 2, main_body, 0)

        for _u in range(2):
            wait_store_unit()

    return emb_kernel


@jax.jit
def kernel(input_ids, weight):
    batch, seq = input_ids.shape
    V, D = weight.shape
    B = batch * seq
    idx = input_ids.reshape(B).astype(jnp.int32)
    out5 = _make_kernel(batch, seq, D)(idx, weight)
    return out5.transpose(2, 4, 0, 1, 3).reshape(batch, seq, D)

# --- scband reference (transcript-rebuilt; emitter-appended) ---
"""Pipeline reference for scband-secure-word-embedding-86603720556601 (READ-ONLY COPY).

The authoritative reference and input builder live on the scoring server;
editing this copy changes nothing except your own understanding.
"""

import jax, jax.numpy as jnp
import numpy as np

VOCAB_SIZE = 1000000
HIDDEN_SIZE = 64
PADDING_IDX = 0


def setup_inputs(seed: int = 0) -> dict:
    key = jax.random.key(seed)
    k_idx, k_w = jax.random.split(key)
    input_ids = jax.random.randint(k_idx, (4096, 200), 0, VOCAB_SIZE, dtype=jnp.int64 if jax.config.jax_enable_x64 else jnp.int32)
    # Embedding table initialized ~ N(0, 0.02), padding row zeroed (matches _init_weights)
    weight = jax.random.normal(k_w, (VOCAB_SIZE, HIDDEN_SIZE), dtype=jnp.float32) * 0.02
    weight = weight.at[PADDING_IDX].set(0.0)
    return {"input_ids": input_ids, "weight": weight}


def reference(input_ids, weight):
    # Secure word embedding lookup: word_embeddings(input_ids)
    # gather rows of the embedding table -> [batch, seq_len, hidden_size]
    return jnp.take(weight, input_ids, axis=0)

if __name__ == "__main__":
    import jax
    _d = setup_inputs()
    print(jax.jit(kernel)(*tuple(_d.values())))

</pallas_src>

<mosaic_0001>
#map = affine_map<(d0, d1) -> (0)>
#map1 = affine_map<(d0, d1) -> (0, 0)>
#map2 = affine_map<(d0, d1) -> (0, 0, 0, 0, 0)>
module attributes {stable_mosaic.version = 14 : i64} {
  func.func @emb_kernel(%arg0: i32, %arg1: i32, %arg2: memref<819200xi32, #tpu.memory_space<hbm>>, %arg3: memref<1000000x64xf32, #tpu.memory_space<hbm>>, %arg4: memref<200x8x32x8x128xf32, #tpu.memory_space<hbm>>, %arg5: memref<25600xi32, #tpu.memory_space<vmem>>, %arg6: memref<200x128xi32, #tpu.memory_space<vmem>>, %arg7: memref<4x128x64xf32, #tpu.memory_space<vmem>>, %arg8: memref<2x8x8x129xf32, #tpu.memory_space<vmem>>, %arg9: memref<!tpu.dma_semaphore, #tpu.memory_space<semaphore_mem>>, %arg10: memref<!tpu.dma_semaphore, #tpu.memory_space<semaphore_mem>>) attributes {dimension_semantics = [#tpu.dimension_semantics<core_parallel>, #tpu.dimension_semantics<subcore_parallel>], iteration_bounds = array<i64: 2, 16>, scalar_prefetch = 0 : i64, scratch_operands = 6 : i64, tpu.core_type = #tpu.core_type<sc_vector_subcore>, window_params = [{transform_indices = #map}, {transform_indices = #map1}, {transform_indices = #map2}]} {
    %mul3A = arith.constant 2 : i32
    %mul3A_0 = arith.muli %arg1, %mul3A : i32
    %add3A = arith.addi %mul3A_0, %arg0 : i32
    %mul3A_1 = arith.constant 25600 : i32
    %mul3A_2 = arith.muli %add3A, %mul3A_1 : i32
    "tpu.region"() ({
      %run_scoped3A = tpu.sem_alloc : memref<!tpu.dma_semaphore, #tpu.memory_space<semaphore_mem>>
      %dma_start3A_127 = tpu.memref_slice %arg2[%mul3A_2] : memref<819200xi32, #tpu.memory_space<hbm>> -> memref<25600xi32, #tpu.memory_space<hbm>>
      %dma_start3A_128 = tpu.memref_slice %arg2[%mul3A_2] : memref<819200xi32, #tpu.memory_space<hbm>> -> memref<25600xi32, #tpu.memory_space<hbm>>
      tpu.enqueue_dma source(%dma_start3A_128 : memref<25600xi32, #tpu.memory_space<hbm>>) target(%arg5 : memref<25600xi32, #tpu.memory_space<vmem>>) target_semaphore(%run_scoped3A : memref<!tpu.dma_semaphore, #tpu.memory_space<semaphore_mem>>)
      %dma_wait3A_129 = tpu.memref_slice %arg2[%mul3A_2] : memref<819200xi32, #tpu.memory_space<hbm>> -> memref<25600xi32, #tpu.memory_space<hbm>>
      %dma_wait3A_130 = tpu.memref_slice %arg2[%mul3A_2] : memref<819200xi32, #tpu.memory_space<hbm>> -> memref<25600xi32, #tpu.memory_space<hbm>>
      tpu.wait_dma2 semaphore(%run_scoped3A : memref<!tpu.dma_semaphore, #tpu.memory_space<semaphore_mem>>) src(%dma_wait3A_130 : memref<25600xi32, #tpu.memory_space<hbm>>) dst(%arg5 : memref<25600xi32, #tpu.memory_space<vmem>>)
      tpu.yield
    }) : () -> ()
    %iota3A = tpu.iota {dimensions = array<i32: 0>} : vector<16xi32>
    %mul3A_3 = arith.constant 200 : i32
    %mul3A_4 = vector.broadcast %mul3A_3 : i32 to vector<16xi32>
    %mul3A_5 = arith.muli %iota3A, %mul3A_4 : vector<16xi32>
    %add3A_6 = arith.constant 0 : i32
    %add3A_7 = vector.broadcast %add3A_6 : i32 to vector<16xi32>
    %add3A_8 = arith.addi %iota3A, %add3A_7 : vector<16xi32>
    %add3A_9 = arith.constant 16 : i32
    %add3A_10 = vector.broadcast %add3A_9 : i32 to vector<16xi32>
    %add3A_11 = arith.addi %iota3A, %add3A_10 : vector<16xi32>
    %add3A_12 = arith.constant 32 : i32
    %add3A_13 = vector.broadcast %add3A_12 : i32 to vector<16xi32>
    %add3A_14 = arith.addi %iota3A, %add3A_13 : vector<16xi32>
    %add3A_15 = arith.constant 48 : i32
    %add3A_16 = vector.broadcast %add3A_15 : i32 to vector<16xi32>
    %add3A_17 = arith.addi %iota3A, %add3A_16 : vector<16xi32>
    %shift_right_logical3A = arith.constant 3 : i32
    %shift_right_logical3A_18 = vector.broadcast %shift_right_logical3A : i32 to vector<16xi32>
    %shift_right_logical3A_19 = arith.shrui %add3A_8, %shift_right_logical3A_18 : vector<16xi32>
    %shift_right_logical3A_20 = arith.constant 3 : i32
    %shift_right_logical3A_21 = vector.broadcast %shift_right_logical3A_20 : i32 to vector<16xi32>
    %shift_right_logical3A_22 = arith.shrui %add3A_11, %shift_right_logical3A_21 : vector<16xi32>
    %shift_right_logical3A_23 = arith.constant 3 : i32
    %shift_right_logical3A_24 = vector.broadcast %shift_right_logical3A_23 : i32 to vector<16xi32>
    %shift_right_logical3A_25 = arith.shrui %add3A_14, %shift_right_logical3A_24 : vector<16xi32>
    %shift_right_logical3A_26 = arith.constant 3 : i32
    %shift_right_logical3A_27 = vector.broadcast %shift_right_logical3A_26 : i32 to vector<16xi32>
    %shift_right_logical3A_28 = arith.shrui %add3A_17, %shift_right_logical3A_27 : vector<16xi32>
    %and3A = arith.constant 7 : i32
    %and3A_29 = vector.broadcast %and3A : i32 to vector<16xi32>
    %and3A_30 = arith.andi %add3A_8, %and3A_29 : vector<16xi32>
    %and3A_31 = arith.constant 7 : i32
    %and3A_32 = vector.broadcast %and3A_31 : i32 to vector<16xi32>
    %and3A_33 = arith.andi %add3A_11, %and3A_32 : vector<16xi32>
    %and3A_34 = arith.constant 7 : i32
    %and3A_35 = vector.broadcast %and3A_34 : i32 to vector<16xi32>
    %and3A_36 = arith.andi %add3A_14, %and3A_35 : vector<16xi32>
    %and3A_37 = arith.constant 7 : i32
    %and3A_38 = vector.broadcast %and3A_37 : i32 to vector<16xi32>
    %and3A_39 = arith.andi %add3A_17, %and3A_38 : vector<16xi32>
    %parallel_loop3A = arith.constant 0 : i32
    %parallel_loop3A_40 = arith.constant 200 : i32
    %parallel_loop3A_41 = arith.constant 1 : i32
    scf.for %parallel_loop3A_127 = %parallel_loop3A to %parallel_loop3A_40 step %parallel_loop3A_41  : i32 {
      %parallel_loop3A_128 = arith.constant 0 : i32
      %parallel_loop3A_129 = arith.addi %parallel_loop3A_128, %parallel_loop3A_127 : i32
      %parallel_loop3A_130 = vector.broadcast %parallel_loop3A_129 : i32 to vector<16xi32>
      %parallel_loop3A_131 = arith.addi %mul3A_5, %parallel_loop3A_130 : vector<16xi32>
      %parallel_loop3A_132 = tpu.vector_load_idx %arg5[%parallel_loop3A_131] : memref<25600xi32, #tpu.memory_space<vmem>>[vector<16xi32>], vector<16xi32>,
      %parallel_loop3A_133 = arith.index_cast %parallel_loop3A_127 : i32 to index
      %parallel_loop3A_134 = arith.constant 0 : index
      %parallel_loop3A_135 = tpu.vector_load %arg6[%parallel_loop3A_133, %parallel_loop3A_134] {strides = array<i32>} : memref<200x128xi32, #tpu.memory_space<vmem>>, vector<16xi32>,
      tpu.vector_store %arg6[%parallel_loop3A_133, %parallel_loop3A_134], %parallel_loop3A_132 {strides = array<i32>} : memref<200x128xi32, #tpu.memory_space<vmem>>, vector<16xi32>,
      %parallel_loop3A_136 = arith.constant 3200 : i32
      %parallel_loop3A_137 = arith.addi %parallel_loop3A_136, %parallel_loop3A_127 : i32
      %parallel_loop3A_138 = vector.broadcast %parallel_loop3A_137 : i32 to vector<16xi32>
      %parallel_loop3A_139 = arith.addi %mul3A_5, %parallel_loop3A_138 : vector<16xi32>
      %parallel_loop3A_140 = tpu.vector_load_idx %arg5[%parallel_loop3A_139] : memref<25600xi32, #tpu.memory_space<vmem>>[vector<16xi32>], vector<16xi32>,
      %parallel_loop3A_141 = arith.index_cast %parallel_loop3A_127 : i32 to index
      %parallel_loop3A_142 = arith.constant 16 : index
      %parallel_loop3A_143 = tpu.vector_load %arg6[%parallel_loop3A_141, %parallel_loop3A_142] {strides = array<i32>} : memref<200x128xi32, #tpu.memory_space<vmem>>, vector<16xi32>,
      tpu.vector_store %arg6[%parallel_loop3A_141, %parallel_loop3A_142], %parallel_loop3A_140 {strides = array<i32>} : memref<200x128xi32, #tpu.memory_space<vmem>>, vector<16xi32>,
      %parallel_loop3A_144 = arith.constant 6400 : i32
      %parallel_loop3A_145 = arith.addi %parallel_loop3A_144, %parallel_loop3A_127 : i32
      %parallel_loop3A_146 = vector.broadcast %parallel_loop3A_145 : i32 to vector<16xi32>
      %parallel_loop3A_147 = arith.addi %mul3A_5, %parallel_loop3A_146 : vector<16xi32>
      %parallel_loop3A_148 = tpu.vector_load_idx %arg5[%parallel_loop3A_147] : memref<25600xi32, #tpu.memory_space<vmem>>[vector<16xi32>], vector<16xi32>,
      %parallel_loop3A_149 = arith.index_cast %parallel_loop3A_127 : i32 to index
      %parallel_loop3A_150 = arith.constant 32 : index
      %parallel_loop3A_151 = tpu.vector_load %arg6[%parallel_loop3A_149, %parallel_loop3A_150] {strides = array<i32>} : memref<200x128xi32, #tpu.memory_space<vmem>>, vector<16xi32>,
      tpu.vector_store %arg6[%parallel_loop3A_149, %parallel_loop3A_150], %parallel_loop3A_148 {strides = array<i32>} : memref<200x128xi32, #tpu.memory_space<vmem>>, vector<16xi32>,
      %parallel_loop3A_152 = arith.constant 9600 : i32
      %parallel_loop3A_153 = arith.addi %parallel_loop3A_152, %parallel_loop3A_127 : i32
      %parallel_loop3A_154 = vector.broadcast %parallel_loop3A_153 : i32 to vector<16xi32>
      %parallel_loop3A_155 = arith.addi %mul3A_5, %parallel_loop3A_154 : vector<16xi32>
      %parallel_loop3A_156 = tpu.vector_load_idx %arg5[%parallel_loop3A_155] : memref<25600xi32, #tpu.memory_space<vmem>>[vector<16xi32>], vector<16xi32>,
      %parallel_loop3A_157 = arith.index_cast %parallel_loop3A_127 : i32 to index
      %parallel_loop3A_158 = arith.constant 48 : index
      %parallel_loop3A_159 = tpu.vector_load %arg6[%parallel_loop3A_157, %parallel_loop3A_158] {strides = array<i32>} : memref<200x128xi32, #tpu.memory_space<vmem>>, vector<16xi32>,
      tpu.vector_store %arg6[%parallel_loop3A_157, %parallel_loop3A_158], %parallel_loop3A_156 {strides = array<i32>} : memref<200x128xi32, #tpu.memory_space<vmem>>, vector<16xi32>,
      %parallel_loop3A_160 = arith.constant 12800 : i32
      %parallel_loop3A_161 = arith.addi %parallel_loop3A_160, %parallel_loop3A_127 : i32
      %parallel_loop3A_162 = vector.broadcast %parallel_loop3A_161 : i32 to vector<16xi32>
      %parallel_loop3A_163 = arith.addi %mul3A_5, %parallel_loop3A_162 : vector<16xi32>
      %parallel_loop3A_164 = tpu.vector_load_idx %arg5[%parallel_loop3A_163] : memref<25600xi32, #tpu.memory_space<vmem>>[vector<16xi32>], vector<16xi32>,
      %parallel_loop3A_165 = arith.index_cast %parallel_loop3A_127 : i32 to index
      %parallel_loop3A_166 = arith.constant 64 : index
      %parallel_loop3A_167 = tpu.vector_load %arg6[%parallel_loop3A_165, %parallel_loop3A_166] {strides = array<i32>} : memref<200x128xi32, #tpu.memory_space<vmem>>, vector<16xi32>,
      tpu.vector_store %arg6[%parallel_loop3A_165, %parallel_loop3A_166], %parallel_loop3A_164 {strides = array<i32>} : memref<200x128xi32, #tpu.memory_space<vmem>>, vector<16xi32>,
      %parallel_loop3A_168 = arith.constant 16000 : i32
      %parallel_loop3A_169 = arith.addi %parallel_loop3A_168, %parallel_loop3A_127 : i32
      %parallel_loop3A_170 = vector.broadcast %parallel_loop3A_169 : i32 to vector<16xi32>
      %parallel_loop3A_171 = arith.addi %mul3A_5, %parallel_loop3A_170 : vector<16xi32>
      %parallel_loop3A_172 = tpu.vector_load_idx %arg5[%parallel_loop3A_171] : memref<25600xi32, #tpu.memory_space<vmem>>[vector<16xi32>], vector<16xi32>,
      %parallel_loop3A_173 = arith.index_cast %parallel_loop3A_127 : i32 to index
      %parallel_loop3A_174 = arith.constant 80 : index
      %parallel_loop3A_175 = tpu.vector_load %arg6[%parallel_loop3A_173, %parallel_loop3A_174] {strides = array<i32>} : memref<200x128xi32, #tpu.memory_space<vmem>>, vector<16xi32>,
      tpu.vector_store %arg6[%parallel_loop3A_173, %parallel_loop3A_174], %parallel_loop3A_172 {strides = array<i32>} : memref<200x128xi32, #tpu.memory_space<vmem>>, vector<16xi32>,
      %parallel_loop3A_176 = arith.constant 19200 : i32
      %parallel_loop3A_177 = arith.addi %parallel_loop3A_176, %parallel_loop3A_127 : i32
      %parallel_loop3A_178 = vector.broadcast %parallel_loop3A_177 : i32 to vector<16xi32>
      %parallel_loop3A_179 = arith.addi %mul3A_5, %parallel_loop3A_178 : vector<16xi32>
      %parallel_loop3A_180 = tpu.vector_load_idx %arg5[%parallel_loop3A_179] : memref<25600xi32, #tpu.memory_space<vmem>>[vector<16xi32>], vector<16xi32>,
      %parallel_loop3A_181 = arith.index_cast %parallel_loop3A_127 : i32 to index
      %parallel_loop3A_182 = arith.constant 96 : index
      %parallel_loop3A_183 = tpu.vector_load %arg6[%parallel_loop3A_181, %parallel_loop3A_182] {strides = array<i32>} : memref<200x128xi32, #tpu.memory_space<vmem>>, vector<16xi32>,
      tpu.vector_store %arg6[%parallel_loop3A_181, %parallel_loop3A_182], %parallel_loop3A_180 {strides = array<i32>} : memref<200x128xi32, #tpu.memory_space<vmem>>, vector<16xi32>,
      %parallel_loop3A_184 = arith.constant 22400 : i32
      %parallel_loop3A_185 = arith.addi %parallel_loop3A_184, %parallel_loop3A_127 : i32
      %parallel_loop3A_186 = vector.broadcast %parallel_loop3A_185 : i32 to vector<16xi32>
      %parallel_loop3A_187 = arith.addi %mul3A_5, %parallel_loop3A_186 : vector<16xi32>
      %parallel_loop3A_188 = tpu.vector_load_idx %arg5[%parallel_loop3A_187] : memref<25600xi32, #tpu.memory_space<vmem>>[vector<16xi32>], vector<16xi32>,
      %parallel_loop3A_189 = arith.index_cast %parallel_loop3A_127 : i32 to index
      %parallel_loop3A_190 = arith.constant 112 : index
      %parallel_loop3A_191 = tpu.vector_load %arg6[%parallel_loop3A_189, %parallel_loop3A_190] {strides = array<i32>} : memref<200x128xi32, #tpu.memory_space<vmem>>, vector<16xi32>,
      tpu.vector_store %arg6[%parallel_loop3A_189, %parallel_loop3A_190], %parallel_loop3A_188 {strides = array<i32>} : memref<200x128xi32, #tpu.memory_space<vmem>>, vector<16xi32>,
    } {sc.loop_unroll_factor = 2 : i64, sc.parallel_access}
    %dma_start3A = arith.constant 0 : i32
    %dma_start3A_42 = arith.constant 0 : i32
    %dma_start3A_43 = arith.constant 0 : i32
    %dma_start3A_44 = arith.constant 0 : i32
    %dma_start3A_45 = tpu.memref_slice %arg7[%dma_start3A_42, %dma_start3A_43, %dma_start3A_44] : memref<4x128x64xf32, #tpu.memory_space<vmem>> -> memref<1x128x64xf32, #tpu.memory_space<vmem>>
    %dma_start3A_46 = tpu.memref_squeeze %dma_start3A_45 : memref<1x128x64xf32, #tpu.memory_space<vmem>> -> memref<128x64xf32, #tpu.memory_space<vmem>>
    %dma_start3A_47 = arith.constant 0 : i32
    %dma_start3A_48 = tpu.memref_slice %arg6[%dma_start3A, %dma_start3A_47] : memref<200x128xi32, #tpu.memory_space<vmem>> -> memref<1x128xi32, #tpu.memory_space<vmem>>
    %dma_start3A_49 = tpu.memref_squeeze %dma_start3A_48 : memref<1x128xi32, #tpu.memory_space<vmem>> -> memref<128xi32, #tpu.memory_space<vmem>>
    %dma_start3A_50 = arith.constant 0 : i32
    %dma_start3A_51 = arith.constant 0 : i32
    %dma_start3A_52 = tpu.memref_slice %arg3[%dma_start3A_50, %dma_start3A_51] : memref<1000000x64xf32, #tpu.memory_space<hbm>> -> memref<1000000x64xf32, #tpu.memory_space<hbm>>
    tpu.enqueue_indirect_dma source(%dma_start3A_52 : memref<1000000x64xf32, #tpu.memory_space<hbm>>) target(%dma_start3A_46 : memref<128x64xf32, #tpu.memory_space<vmem>>) offsets(%dma_start3A_49 : memref<128xi32, #tpu.memory_space<vmem>>) semaphore(%arg9 : memref<!tpu.dma_semaphore, #tpu.memory_space<semaphore_mem>>)
    %dma_start3A_53 = arith.constant 1 : i32
    %dma_start3A_54 = arith.constant 1 : i32
    %dma_start3A_55 = arith.constant 0 : i32
    %dma_start3A_56 = arith.constant 0 : i32
    %dma_start3A_57 = tpu.memref_slice %arg7[%dma_start3A_54, %dma_start3A_55, %dma_start3A_56] : memref<4x128x64xf32, #tpu.memory_space<vmem>> -> memref<1x128x64xf32, #tpu.memory_space<vmem>>
    %dma_start3A_58 = tpu.memref_squeeze %dma_start3A_57 : memref<1x128x64xf32, #tpu.memory_space<vmem>> -> memref<128x64xf32, #tpu.memory_space<vmem>>
    %dma_start3A_59 = arith.constant 0 : i32
    %dma_start3A_60 = tpu.memref_slice %arg6[%dma_start3A_53, %dma_start3A_59] : memref<200x128xi32, #tpu.memory_space<vmem>> -> memref<1x128xi32, #tpu.memory_space<vmem>>
    %dma_start3A_61 = tpu.memref_squeeze %dma_start3A_60 : memref<1x128xi32, #tpu.memory_space<vmem>> -> memref<128xi32, #tpu.memory_space<vmem>>
    %dma_start3A_62 = arith.constant 0 : i32
    %dma_start3A_63 = arith.constant 0 : i32
    %dma_start3A_64 = tpu.memref_slice %arg3[%dma_start3A_62, %dma_start3A_63] : memref<1000000x64xf32, #tpu.memory_space<hbm>> -> memref<1000000x64xf32, #tpu.memory_space<hbm>>
    tpu.enqueue_indirect_dma source(%dma_start3A_64 : memref<1000000x64xf32, #tpu.memory_space<hbm>>) target(%dma_start3A_58 : memref<128x64xf32, #tpu.memory_space<vmem>>) offsets(%dma_start3A_61 : memref<128xi32, #tpu.memory_space<vmem>>) semaphore(%arg9 : memref<!tpu.dma_semaphore, #tpu.memory_space<semaphore_mem>>)
    %dma_start3A_65 = arith.constant 2 : i32
    %dma_start3A_66 = arith.constant 2 : i32
    %dma_start3A_67 = arith.constant 0 : i32
    %dma_start3A_68 = arith.constant 0 : i32
    %dma_start3A_69 = tpu.memref_slice %arg7[%dma_start3A_66, %dma_start3A_67, %dma_start3A_68] : memref<4x128x64xf32, #tpu.memory_space<vmem>> -> memref<1x128x64xf32, #tpu.memory_space<vmem>>
    %dma_start3A_70 = tpu.memref_squeeze %dma_start3A_69 : memref<1x128x64xf32, #tpu.memory_space<vmem>> -> memref<128x64xf32, #tpu.memory_space<vmem>>
    %dma_start3A_71 = arith.constant 0 : i32
    %dma_start3A_72 = tpu.memref_slice %arg6[%dma_start3A_65, %dma_start3A_71] : memref<200x128xi32, #tpu.memory_space<vmem>> -> memref<1x128xi32, #tpu.memory_space<vmem>>
    %dma_start3A_73 = tpu.memref_squeeze %dma_start3A_72 : memref<1x128xi32, #tpu.memory_space<vmem>> -> memref<128xi32, #tpu.memory_space<vmem>>
    %dma_start3A_74 = arith.constant 0 : i32
    %dma_start3A_75 = arith.constant 0 : i32
    %dma_start3A_76 = tpu.memref_slice %arg3[%dma_start3A_74, %dma_start3A_75] : memref<1000000x64xf32, #tpu.memory_space<hbm>> -> memref<1000000x64xf32, #tpu.memory_space<hbm>>
    tpu.enqueue_indirect_dma source(%dma_start3A_76 : memref<1000000x64xf32, #tpu.memory_space<hbm>>) target(%dma_start3A_70 : memref<128x64xf32, #tpu.memory_space<vmem>>) offsets(%dma_start3A_73 : memref<128xi32, #tpu.memory_space<vmem>>) semaphore(%arg9 : memref<!tpu.dma_semaphore, #tpu.memory_space<semaphore_mem>>)
    %scan3A = arith.constant 0 : i32
    %scan3A_77 = arith.constant 0 : i32
    %scan3A_78 = arith.constant 100 : i32
    %scan3A_79 = arith.addi %scan3A_77, %scan3A_78 : i32
    %scan3A_80 = arith.constant 1 : i32
    scf.for %scan3A_127 = %scan3A_77 to %scan3A_79 step %scan3A_80  : i32 {
      %mul3A_128 = arith.constant 2 : i32
      %mul3A_129 = arith.muli %mul3A_128, %scan3A_127 : i32
      %dma_wait3A_130 = arith.constant 0 : i32
      %dma_wait3A_131 = arith.constant 0 : i32
      %dma_wait3A_132 = arith.constant 0 : i32
      %dma_wait3A_133 = tpu.memref_slice %arg7[%dma_wait3A_130, %dma_wait3A_131, %dma_wait3A_132] : memref<4x128x64xf32, #tpu.memory_space<vmem>> -> memref<1x128x64xf32, #tpu.memory_space<vmem>>
      %dma_wait3A_134 = tpu.memref_squeeze %dma_wait3A_133 : memref<1x128x64xf32, #tpu.memory_space<vmem>> -> memref<128x64xf32, #tpu.memory_space<vmem>>
      %dma_wait3A_135 = arith.constant 0 : i32
      %dma_wait3A_136 = arith.constant 0 : i32
      %dma_wait3A_137 = tpu.memref_slice %arg3[%dma_wait3A_135, %dma_wait3A_136] : memref<1000000x64xf32, #tpu.memory_space<hbm>> -> memref<128x64xf32, #tpu.memory_space<hbm>>
      %dma_wait3A_138 = arith.constant 0 : i32
      %dma_wait3A_139 = arith.constant 0 : i32
      %dma_wait3A_140 = tpu.memref_slice %arg7[%dma_wait3A_130, %dma_wait3A_138, %dma_wait3A_139] : memref<4x128x64xf32, #tpu.memory_space<vmem>> -> memref<1x128x64xf32, #tpu.memory_space<vmem>>
      %dma_wait3A_141 = tpu.memref_squeeze %dma_wait3A_140 : memref<1x128x64xf32, #tpu.memory_space<vmem>> -> memref<128x64xf32, #tpu.memory_space<vmem>>
      %dma_wait3A_142 = arith.constant 0 : i32
      %dma_wait3A_143 = arith.constant 0 : i32
      %dma_wait3A_144 = tpu.memref_slice %arg3[%dma_wait3A_142, %dma_wait3A_143] : memref<1000000x64xf32, #tpu.memory_space<hbm>> -> memref<128x64xf32, #tpu.memory_space<hbm>>
      tpu.wait_dma2 semaphore(%arg9 : memref<!tpu.dma_semaphore, #tpu.memory_space<semaphore_mem>>) src(%dma_wait3A_144 : memref<128x64xf32, #tpu.memory_space<hbm>>) dst(%dma_wait3A_141 : memref<128x64xf32, #tpu.memory_space<vmem>>)
      %lt3A = arith.constant 197 : i32
      %lt3A_145 = arith.cmpi slt, %mul3A_129, %lt3A : i32
      %convert_element_type3A = arith.extui %lt3A_145 : i1 to i32
      %cond3A = arith.constant 0 : i32
      %cond3A_146 = arith.cmpi ne, %convert_element_type3A, %cond3A : i32
      scf.if %cond3A_146 {
        %add3A_255 = arith.constant 3 : i32
        %add3A_256 = arith.addi %mul3A_129, %add3A_255 : i32
        %jit3A_257 = arith.constant 4 : i32
        %eq3A_258 = arith.constant 0 : i32
        %eq3A_259 = arith.cmpi eq, %jit3A_257, %eq3A_258 : i32
        %jit3A_260 = arith.constant 1 : i32
        %select_n3A_261 = arith.select %eq3A_259, %jit3A_260, %jit3A_257 : i32
        %rem3A_262 = arith.remsi %add3A_256, %select_n3A_261 : i32
        %ne3A_263 = arith.constant 0 : i32
        %ne3A_264 = arith.cmpi ne, %rem3A_262, %ne3A_263 : i32
        %lt3A_265 = arith.constant 0 : i32
        %lt3A_266 = arith.cmpi slt, %rem3A_262, %lt3A_265 : i32
        %lt3A_267 = arith.constant 0 : i32
        %lt3A_268 = arith.cmpi slt, %select_n3A_261, %lt3A_267 : i32
        %ne3A_269 = arith.xori %lt3A_266, %lt3A_268 : i1
        %and3A_270 = arith.andi %ne3A_269, %ne3A_264 : i1
        %add3A_271 = arith.addi %rem3A_262, %select_n3A_261 : i32
        %select_n3A_272 = arith.select %and3A_270, %add3A_271, %rem3A_262 : i32
        %dma_start3A_273 = arith.constant 0 : i32
        %dma_start3A_274 = arith.constant 0 : i32
        %dma_start3A_275 = tpu.memref_slice %arg7[%select_n3A_272, %dma_start3A_273, %dma_start3A_274] : memref<4x128x64xf32, #tpu.memory_space<vmem>> -> memref<1x128x64xf32, #tpu.memory_space<vmem>>
        %dma_start3A_276 = tpu.memref_squeeze %dma_start3A_275 : memref<1x128x64xf32, #tpu.memory_space<vmem>> -> memref<128x64xf32, #tpu.memory_space<vmem>>
        %dma_start3A_277 = arith.constant 0 : i32
        %dma_start3A_278 = tpu.memref_slice %arg6[%add3A_256, %dma_start3A_277] : memref<200x128xi32, #tpu.memory_space<vmem>> -> memref<1x128xi32, #tpu.memory_space<vmem>>
        %dma_start3A_279 = tpu.memref_squeeze %dma_start3A_278 : memref<1x128xi32, #tpu.memory_space<vmem>> -> memref<128xi32, #tpu.memory_space<vmem>>
        %dma_start3A_280 = arith.constant 0 : i32
        %dma_start3A_281 = arith.constant 0 : i32
        %dma_start3A_282 = tpu.memref_slice %arg3[%dma_start3A_280, %dma_start3A_281] : memref<1000000x64xf32, #tpu.memory_space<hbm>> -> memref<1000000x64xf32, #tpu.memory_space<hbm>>
        tpu.enqueue_indirect_dma source(%dma_start3A_282 : memref<1000000x64xf32, #tpu.memory_space<hbm>>) target(%dma_start3A_276 : memref<128x64xf32, #tpu.memory_space<vmem>>) offsets(%dma_start3A_279 : memref<128xi32, #tpu.memory_space<vmem>>) semaphore(%arg9 : memref<!tpu.dma_semaphore, #tpu.memory_space<semaphore_mem>>)
      } else {
      }
      %jit3A = arith.constant 4 : i32
      %eq3A = arith.constant 0 : i32
      %eq3A_147 = arith.cmpi eq, %jit3A, %eq3A : i32
      %jit3A_148 = arith.constant 1 : i32
      %select_n3A = arith.select %eq3A_147, %jit3A_148, %jit3A : i32
      %rem3A = arith.remsi %mul3A_129, %select_n3A : i32
      %ne3A = arith.constant 0 : i32
      %ne3A_149 = arith.cmpi ne, %rem3A, %ne3A : i32
      %lt3A_150 = arith.constant 0 : i32
      %lt3A_151 = arith.cmpi slt, %rem3A, %lt3A_150 : i32
      %lt3A_152 = arith.constant 0 : i32
      %lt3A_153 = arith.cmpi slt, %select_n3A, %lt3A_152 : i32
      %ne3A_154 = arith.xori %lt3A_151, %lt3A_153 : i1
      %and3A_155 = arith.andi %ne3A_154, %ne3A_149 : i1
      %add3A_156 = arith.addi %rem3A, %select_n3A : i32
      %select_n3A_157 = arith.select %and3A_155, %add3A_156, %rem3A : i32
      %parallel_loop3A_158 = arith.constant 0 : i32
      %parallel_loop3A_159 = arith.constant 128 : i32
      %parallel_loop3A_160 = arith.constant 1 : i32
      scf.for %parallel_loop3A_255 = %parallel_loop3A_158 to %parallel_loop3A_159 step %parallel_loop3A_160  : i32 {
        %parallel_loop3A_256 = arith.constant 0 : i32
        %parallel_loop3A_257 = vector.broadcast %parallel_loop3A_256 : i32 to vector<16xi32>
        %parallel_loop3A_258 = vector.broadcast %parallel_loop3A_255 : i32 to vector<16xi32>
        %parallel_loop3A_259 = arith.addi %parallel_loop3A_257, %parallel_loop3A_258 : vector<16xi32>
        %parallel_loop3A_260 = arith.index_cast %select_n3A_157 : i32 to index
        %parallel_loop3A_261 = arith.index_cast %parallel_loop3A_255 : i32 to index
        %parallel_loop3A_262 = arith.constant 0 : index
        %parallel_loop3A_263 = tpu.vector_load %arg7[%parallel_loop3A_260, %parallel_loop3A_261, %parallel_loop3A_262] {strides = array<i32>} : memref<4x128x64xf32, #tpu.memory_space<vmem>>, vector<16xf32>,
        %parallel_loop3A_264 = arith.constant 0 : i32
        %parallel_loop3A_265 = arith.constant 0 : i32
        %parallel_loop3A_266 = arith.constant 0 : i32
        %parallel_loop3A_267 = arith.constant 0 : i32
        %parallel_loop3A_268 = tpu.memref_slice %arg8[%parallel_loop3A_264, %parallel_loop3A_265, %parallel_loop3A_266, %parallel_loop3A_267] : memref<2x8x8x129xf32, #tpu.memory_space<vmem>> -> memref<1x8x8x129xf32, #tpu.memory_space<vmem>>
        %parallel_loop3A_269 = tpu.memref_squeeze %parallel_loop3A_268 : memref<1x8x8x129xf32, #tpu.memory_space<vmem>> -> memref<8x8x129xf32, #tpu.memory_space<vmem>>
        tpu.vector_store_idx %parallel_loop3A_269[%shift_right_logical3A_19, %and3A_30, %parallel_loop3A_259], %parallel_loop3A_263 : memref<8x8x129xf32, #tpu.memory_space<vmem>>[vector<16xi32>, vector<16xi32>, vector<16xi32>], vector<16xf32>,
        %parallel_loop3A_270 = arith.index_cast %select_n3A_157 : i32 to index
        %parallel_loop3A_271 = arith.index_cast %parallel_loop3A_255 : i32 to index
        %parallel_loop3A_272 = arith.constant 16 : index
        %parallel_loop3A_273 = tpu.vector_load %arg7[%parallel_loop3A_270, %parallel_loop3A_271, %parallel_loop3A_272] {strides = array<i32>} : memref<4x128x64xf32, #tpu.memory_space<vmem>>, vector<16xf32>,
        %parallel_loop3A_274 = arith.constant 0 : i32
        %parallel_loop3A_275 = arith.constant 0 : i32
        %parallel_loop3A_276 = arith.constant 0 : i32
        %parallel_loop3A_277 = arith.constant 0 : i32
        %parallel_loop3A_278 = tpu.memref_slice %arg8[%parallel_loop3A_274, %parallel_loop3A_275, %parallel_loop3A_276, %parallel_loop3A_277] : memref<2x8x8x129xf32, #tpu.memory_space<vmem>> -> memref<1x8x8x129xf32, #tpu.memory_space<vmem>>
        %parallel_loop3A_279 = tpu.memref_squeeze %parallel_loop3A_278 : memref<1x8x8x129xf32, #tpu.memory_space<vmem>> -> memref<8x8x129xf32, #tpu.memory_space<vmem>>
        tpu.vector_store_idx %parallel_loop3A_279[%shift_right_logical3A_22, %and3A_33, %parallel_loop3A_259], %parallel_loop3A_273 : memref<8x8x129xf32, #tpu.memory_space<vmem>>[vector<16xi32>, vector<16xi32>, vector<16xi32>], vector<16xf32>,
        %parallel_loop3A_280 = arith.index_cast %select_n3A_157 : i32 to index
        %parallel_loop3A_281 = arith.index_cast %parallel_loop3A_255 : i32 to index
        %parallel_loop3A_282 = arith.constant 32 : index
        %parallel_loop3A_283 = tpu.vector_load %arg7[%parallel_loop3A_280, %parallel_loop3A_281, %parallel_loop3A_282] {strides = array<i32>} : memref<4x128x64xf32, #tpu.memory_space<vmem>>, vector<16xf32>,
        %parallel_loop3A_284 = arith.constant 0 : i32
        %parallel_loop3A_285 = arith.constant 0 : i32
        %parallel_loop3A_286 = arith.constant 0 : i32
        %parallel_loop3A_287 = arith.constant 0 : i32
        %parallel_loop3A_288 = tpu.memref_slice %arg8[%parallel_loop3A_284, %parallel_loop3A_285, %parallel_loop3A_286, %parallel_loop3A_287] : memref<2x8x8x129xf32, #tpu.memory_space<vmem>> -> memref<1x8x8x129xf32, #tpu.memory_space<vmem>>
        %parallel_loop3A_289 = tpu.memref_squeeze %parallel_loop3A_288 : memref<1x8x8x129xf32, #tpu.memory_space<vmem>> -> memref<8x8x129xf32, #tpu.memory_space<vmem>>
        tpu.vector_store_idx %parallel_loop3A_289[%shift_right_logical3A_25, %and3A_36, %parallel_loop3A_259], %parallel_loop3A_283 : memref<8x8x129xf32, #tpu.memory_space<vmem>>[vector<16xi32>, vector<16xi32>, vector<16xi32>], vector<16xf32>,
        %parallel_loop3A_290 = arith.index_cast %select_n3A_157 : i32 to index
        %parallel_loop3A_291 = arith.index_cast %parallel_loop3A_255 : i32 to index
        %parallel_loop3A_292 = arith.constant 48 : index
        %parallel_loop3A_293 = tpu.vector_load %arg7[%parallel_loop3A_290, %parallel_loop3A_291, %parallel_loop3A_292] {strides = array<i32>} : memref<4x128x64xf32, #tpu.memory_space<vmem>>, vector<16xf32>,
        %parallel_loop3A_294 = arith.constant 0 : i32
        %parallel_loop3A_295 = arith.constant 0 : i32
        %parallel_loop3A_296 = arith.constant 0 : i32
        %parallel_loop3A_297 = arith.constant 0 : i32
        %parallel_loop3A_298 = tpu.memref_slice %arg8[%parallel_loop3A_294, %parallel_loop3A_295, %parallel_loop3A_296, %parallel_loop3A_297] : memref<2x8x8x129xf32, #tpu.memory_space<vmem>> -> memref<1x8x8x129xf32, #tpu.memory_space<vmem>>
        %parallel_loop3A_299 = tpu.memref_squeeze %parallel_loop3A_298 : memref<1x8x8x129xf32, #tpu.memory_space<vmem>> -> memref<8x8x129xf32, #tpu.memory_space<vmem>>
        tpu.vector_store_idx %parallel_loop3A_299[%shift_right_logical3A_28, %and3A_39, %parallel_loop3A_259], %parallel_loop3A_293 : memref<8x8x129xf32, #tpu.memory_space<vmem>>[vector<16xi32>, vector<16xi32>, vector<16xi32>], vector<16xf32>,
      } {sc.loop_unroll_factor = 8 : i64, sc.parallel_access}
      %ge3A = arith.constant 2 : i32
      %ge3A_161 = arith.cmpi sge, %mul3A_129, %ge3A : i32
      %convert_element_type3A_162 = arith.extui %ge3A_161 : i1 to i32
      %cond3A_163 = arith.constant 0 : i32
      %cond3A_164 = arith.cmpi ne, %convert_element_type3A_162, %cond3A_163 : i32
      scf.if %cond3A_164 {
        %dma_wait3A_255 = arith.constant 0 : i32
        %dma_wait3A_256 = arith.constant 0 : i32
        %dma_wait3A_257 = arith.constant 0 : i32
        %dma_wait3A_258 = arith.constant 0 : i32
        %dma_wait3A_259 = arith.constant 0 : i32
        %dma_wait3A_260 = arith.constant 0 : i32
        %dma_wait3A_261 = tpu.memref_slice %arg8[%dma_wait3A_255, %dma_wait3A_258, %dma_wait3A_259, %dma_wait3A_260] : memref<2x8x8x129xf32, #tpu.memory_space<vmem>> -> memref<1x8x8x128xf32, #tpu.memory_space<vmem>>
        %dma_wait3A_262 = tpu.memref_squeeze %dma_wait3A_261 : memref<1x8x8x128xf32, #tpu.memory_space<vmem>> -> memref<8x8x128xf32, #tpu.memory_space<vmem>>
        %dma_wait3A_263 = arith.constant 0 : i32
        %dma_wait3A_264 = arith.constant 0 : i32
        %dma_wait3A_265 = arith.constant 0 : i32
        %dma_wait3A_266 = tpu.memref_slice %arg4[%dma_wait3A_256, %dma_wait3A_263, %dma_wait3A_257, %dma_wait3A_264, %dma_wait3A_265] : memref<200x8x32x8x128xf32, #tpu.memory_space<hbm>> -> memref<1x8x1x8x128xf32, #tpu.memory_space<hbm>>
        %dma_wait3A_267 = tpu.memref_squeeze %dma_wait3A_266 : memref<1x8x1x8x128xf32, #tpu.memory_space<hbm>> -> memref<8x8x128xf32, #tpu.memory_space<hbm>>
        %dma_wait3A_268 = arith.constant 0 : i32
        %dma_wait3A_269 = arith.constant 0 : i32
        %dma_wait3A_270 = arith.constant 0 : i32
        %dma_wait3A_271 = tpu.memref_slice %arg4[%dma_wait3A_256, %dma_wait3A_268, %dma_wait3A_257, %dma_wait3A_269, %dma_wait3A_270] : memref<200x8x32x8x128xf32, #tpu.memory_space<hbm>> -> memref<1x8x1x8x128xf32, #tpu.memory_space<hbm>>
        %dma_wait3A_272 = tpu.memref_squeeze %dma_wait3A_271 : memref<1x8x1x8x128xf32, #tpu.memory_space<hbm>> -> memref<8x8x128xf32, #tpu.memory_space<hbm>>
        %dma_wait3A_273 = arith.constant 0 : i32
        %dma_wait3A_274 = arith.constant 0 : i32
        %dma_wait3A_275 = arith.constant 0 : i32
        %dma_wait3A_276 = tpu.memref_slice %arg8[%dma_wait3A_255, %dma_wait3A_273, %dma_wait3A_274, %dma_wait3A_275] : memref<2x8x8x129xf32, #tpu.memory_space<vmem>> -> memref<1x8x8x128xf32, #tpu.memory_space<vmem>>
        %dma_wait3A_277 = tpu.memref_squeeze %dma_wait3A_276 : memref<1x8x8x128xf32, #tpu.memory_space<vmem>> -> memref<8x8x128xf32, #tpu.memory_space<vmem>>
        tpu.wait_dma2 semaphore(%arg10 : memref<!tpu.dma_semaphore, #tpu.memory_space<semaphore_mem>>) src(%dma_wait3A_277 : memref<8x8x128xf32, #tpu.memory_space<vmem>>) dst(%dma_wait3A_272 : memref<8x8x128xf32, #tpu.memory_space<hbm>>)
      } else {
      }
      %dma_start3A_165 = arith.constant 0 : i32
      %dma_start3A_166 = arith.constant 0 : i32
      %dma_start3A_167 = arith.constant 0 : i32
      %dma_start3A_168 = arith.constant 0 : i32
      %dma_start3A_169 = tpu.memref_slice %arg8[%dma_start3A_165, %dma_start3A_166, %dma_start3A_167, %dma_start3A_168] : memref<2x8x8x129xf32, #tpu.memory_space<vmem>> -> memref<1x8x8x128xf32, #tpu.memory_space<vmem>>
      %dma_start3A_170 = tpu.memref_squeeze %dma_start3A_169 : memref<1x8x8x128xf32, #tpu.memory_space<vmem>> -> memref<8x8x128xf32, #tpu.memory_space<vmem>>
      %dma_start3A_171 = arith.constant 0 : i32
      %dma_start3A_172 = arith.constant 0 : i32
      %dma_start3A_173 = arith.constant 0 : i32
      %dma_start3A_174 = tpu.memref_slice %arg4[%mul3A_129, %dma_start3A_171, %add3A, %dma_start3A_172, %dma_start3A_173] : memref<200x8x32x8x128xf32, #tpu.memory_space<hbm>> -> memref<1x8x1x8x128xf32, #tpu.memory_space<hbm>>
      %dma_start3A_175 = tpu.memref_squeeze %dma_start3A_174 : memref<1x8x1x8x128xf32, #tpu.memory_space<hbm>> -> memref<8x8x128xf32, #tpu.memory_space<hbm>>
      %dma_start3A_176 = arith.constant 0 : i32
      %dma_start3A_177 = arith.constant 0 : i32
      %dma_start3A_178 = arith.constant 0 : i32
      %dma_start3A_179 = tpu.memref_slice %arg4[%mul3A_129, %dma_start3A_176, %add3A, %dma_start3A_177, %dma_start3A_178] : memref<200x8x32x8x128xf32, #tpu.memory_space<hbm>> -> memref<1x8x1x8x128xf32, #tpu.memory_space<hbm>>
      %dma_start3A_180 = tpu.memref_squeeze %dma_start3A_179 : memref<1x8x1x8x128xf32, #tpu.memory_space<hbm>> -> memref<8x8x128xf32, #tpu.memory_space<hbm>>
      %dma_start3A_181 = arith.constant 0 : i32
      %dma_start3A_182 = arith.constant 0 : i32
      %dma_start3A_183 = arith.constant 0 : i32
      %dma_start3A_184 = tpu.memref_slice %arg8[%dma_start3A_165, %dma_start3A_181, %dma_start3A_182, %dma_start3A_183] : memref<2x8x8x129xf32, #tpu.memory_space<vmem>> -> memref<1x8x8x128xf32, #tpu.memory_space<vmem>>
      %dma_start3A_185 = tpu.memref_squeeze %dma_start3A_184 : memref<1x8x8x128xf32, #tpu.memory_space<vmem>> -> memref<8x8x128xf32, #tpu.memory_space<vmem>>
      tpu.enqueue_dma source(%dma_start3A_185 : memref<8x8x128xf32, #tpu.memory_space<vmem>>) target(%dma_start3A_180 : memref<8x8x128xf32, #tpu.memory_space<hbm>>) target_semaphore(%arg10 : memref<!tpu.dma_semaphore, #tpu.memory_space<semaphore_mem>>)
      %mul3A_186 = arith.constant 2 : i32
      %mul3A_187 = arith.muli %mul3A_186, %scan3A_127 : i32
      %add3A_188 = arith.constant 1 : i32
      %add3A_189 = arith.addi %mul3A_187, %add3A_188 : i32
      %dma_wait3A_190 = arith.constant 0 : i32
      %dma_wait3A_191 = arith.constant 0 : i32
      %dma_wait3A_192 = arith.constant 0 : i32
      %dma_wait3A_193 = tpu.memref_slice %arg7[%dma_wait3A_190, %dma_wait3A_191, %dma_wait3A_192] : memref<4x128x64xf32, #tpu.memory_space<vmem>> -> memref<1x128x64xf32, #tpu.memory_space<vmem>>
      %dma_wait3A_194 = tpu.memref_squeeze %dma_wait3A_193 : memref<1x128x64xf32, #tpu.memory_space<vmem>> -> memref<128x64xf32, #tpu.memory_space<vmem>>
      %dma_wait3A_195 = arith.constant 0 : i32
      %dma_wait3A_196 = arith.constant 0 : i32
      %dma_wait3A_197 = tpu.memref_slice %arg3[%dma_wait3A_195, %dma_wait3A_196] : memref<1000000x64xf32, #tpu.memory_space<hbm>> -> memref<128x64xf32, #tpu.memory_space<hbm>>
      %dma_wait3A_198 = arith.constant 0 : i32
      %dma_wait3A_199 = arith.constant 0 : i32
      %dma_wait3A_200 = tpu.memref_slice %arg7[%dma_wait3A_190, %dma_wait3A_198, %dma_wait3A_199] : memref<4x128x64xf32, #tpu.memory_space<vmem>> -> memref<1x128x64xf32, #tpu.memory_space<vmem>>
      %dma_wait3A_201 = tpu.memref_squeeze %dma_wait3A_200 : memref<1x128x64xf32, #tpu.memory_space<vmem>> -> memref<128x64xf32, #tpu.memory_space<vmem>>
      %dma_wait3A_202 = arith.constant 0 : i32
      %dma_wait3A_203 = arith.constant 0 : i32
      %dma_wait3A_204 = tpu.memref_slice %arg3[%dma_wait3A_202, %dma_wait3A_203] : memref<1000000x64xf32, #tpu.memory_space<hbm>> -> memref<128x64xf32, #tpu.memory_space<hbm>>
      tpu.wait_dma2 semaphore(%arg9 : memref<!tpu.dma_semaphore, #tpu.memory_space<semaphore_mem>>) src(%dma_wait3A_204 : memref<128x64xf32, #tpu.memory_space<hbm>>) dst(%dma_wait3A_201 : memref<128x64xf32, #tpu.memory_space<vmem>>)
      %lt3A_205 = arith.constant 197 : i32
      %lt3A_206 = arith.cmpi slt, %add3A_189, %lt3A_205 : i32
      %convert_element_type3A_207 = arith.extui %lt3A_206 : i1 to i32
      %cond3A_208 = arith.constant 0 : i32
      %cond3A_209 = arith.cmpi ne, %convert_element_type3A_207, %cond3A_208 : i32
      scf.if %cond3A_209 {
        %add3A_255 = arith.constant 3 : i32
        %add3A_256 = arith.addi %add3A_189, %add3A_255 : i32
        %jit3A_257 = arith.constant 4 : i32
        %eq3A_258 = arith.constant 0 : i32
        %eq3A_259 = arith.cmpi eq, %jit3A_257, %eq3A_258 : i32
        %jit3A_260 = arith.constant 1 : i32
        %select_n3A_261 = arith.select %eq3A_259, %jit3A_260, %jit3A_257 : i32
        %rem3A_262 = arith.remsi %add3A_256, %select_n3A_261 : i32
        %ne3A_263 = arith.constant 0 : i32
        %ne3A_264 = arith.cmpi ne, %rem3A_262, %ne3A_263 : i32
        %lt3A_265 = arith.constant 0 : i32
        %lt3A_266 = arith.cmpi slt, %rem3A_262, %lt3A_265 : i32
        %lt3A_267 = arith.constant 0 : i32
        %lt3A_268 = arith.cmpi slt, %select_n3A_261, %lt3A_267 : i32
        %ne3A_269 = arith.xori %lt3A_266, %lt3A_268 : i1
        %and3A_270 = arith.andi %ne3A_269, %ne3A_264 : i1
        %add3A_271 = arith.addi %rem3A_262, %select_n3A_261 : i32
        %select_n3A_272 = arith.select %and3A_270, %add3A_271, %rem3A_262 : i32
        %dma_start3A_273 = arith.constant 0 : i32
        %dma_start3A_274 = arith.constant 0 : i32
        %dma_start3A_275 = tpu.memref_slice %arg7[%select_n3A_272, %dma_start3A_273, %dma_start3A_274] : memref<4x128x64xf32, #tpu.memory_space<vmem>> -> memref<1x128x64xf32, #tpu.memory_space<vmem>>
        %dma_start3A_276 = tpu.memref_squeeze %dma_start3A_275 : memref<1x128x64xf32, #tpu.memory_space<vmem>> -> memref<128x64xf32, #tpu.memory_space<vmem>>
        %dma_start3A_277 = arith.constant 0 : i32
        %dma_start3A_278 = tpu.memref_slice %arg6[%add3A_256, %dma_start3A_277] : memref<200x128xi32, #tpu.memory_space<vmem>> -> memref<1x128xi32, #tpu.memory_space<vmem>>
        %dma_start3A_279 = tpu.memref_squeeze %dma_start3A_278 : memref<1x128xi32, #tpu.memory_space<vmem>> -> memref<128xi32, #tpu.memory_space<vmem>>
        %dma_start3A_280 = arith.constant 0 : i32
        %dma_start3A_281 = arith.constant 0 : i32
        %dma_start3A_282 = tpu.memref_slice %arg3[%dma_start3A_280, %dma_start3A_281] : memref<1000000x64xf32, #tpu.memory_space<hbm>> -> memref<1000000x64xf32, #tpu.memory_space<hbm>>
        tpu.enqueue_indirect_dma source(%dma_start3A_282 : memref<1000000x64xf32, #tpu.memory_space<hbm>>) target(%dma_start3A_276 : memref<128x64xf32, #tpu.memory_space<vmem>>) offsets(%dma_start3A_279 : memref<128xi32, #tpu.memory_space<vmem>>) semaphore(%arg9 : memref<!tpu.dma_semaphore, #tpu.memory_space<semaphore_mem>>)
      } else {
      }
      %jit3A_210 = arith.constant 4 : i32
      %eq3A_211 = arith.constant 0 : i32
      %eq3A_212 = arith.cmpi eq, %jit3A_210, %eq3A_211 : i32
      %jit3A_213 = arith.constant 1 : i32
      %select_n3A_214 = arith.select %eq3A_212, %jit3A_213, %jit3A_210 : i32
      %rem3A_215 = arith.remsi %add3A_189, %select_n3A_214 : i32
      %ne3A_216 = arith.constant 0 : i32
      %ne3A_217 = arith.cmpi ne, %rem3A_215, %ne3A_216 : i32
      %lt3A_218 = arith.constant 0 : i32
      %lt3A_219 = arith.cmpi slt, %rem3A_215, %lt3A_218 : i32
      %lt3A_220 = arith.constant 0 : i32
      %lt3A_221 = arith.cmpi slt, %select_n3A_214, %lt3A_220 : i32
      %ne3A_222 = arith.xori %lt3A_219, %lt3A_221 : i1
      %and3A_223 = arith.andi %ne3A_222, %ne3A_217 : i1
      %add3A_224 = arith.addi %rem3A_215, %select_n3A_214 : i32
      %select_n3A_225 = arith.select %and3A_223, %add3A_224, %rem3A_215 : i32
      %parallel_loop3A_226 = arith.constant 0 : i32
      %parallel_loop3A_227 = arith.constant 128 : i32
      %parallel_loop3A_228 = arith.constant 1 : i32
      scf.for %parallel_loop3A_255 = %parallel_loop3A_226 to %parallel_loop3A_227 step %parallel_loop3A_228  : i32 {
        %parallel_loop3A_256 = arith.constant 0 : i32
        %parallel_loop3A_257 = vector.broadcast %parallel_loop3A_256 : i32 to vector<16xi32>
        %parallel_loop3A_258 = vector.broadcast %parallel_loop3A_255 : i32 to vector<16xi32>
        %parallel_loop3A_259 = arith.addi %parallel_loop3A_257, %parallel_loop3A_258 : vector<16xi32>
        %parallel_loop3A_260 = arith.index_cast %select_n3A_225 : i32 to index
        %parallel_loop3A_261 = arith.index_cast %parallel_loop3A_255 : i32 to index
        %parallel_loop3A_262 = arith.constant 0 : index
        %parallel_loop3A_263 = tpu.vector_load %arg7[%parallel_loop3A_260, %parallel_loop3A_261, %parallel_loop3A_262] {strides = array<i32>} : memref<4x128x64xf32, #tpu.memory_space<vmem>>, vector<16xf32>,
        %parallel_loop3A_264 = arith.constant 1 : i32
        %parallel_loop3A_265 = arith.constant 0 : i32
        %parallel_loop3A_266 = arith.constant 0 : i32
        %parallel_loop3A_267 = arith.constant 0 : i32
        %parallel_loop3A_268 = tpu.memref_slice %arg8[%parallel_loop3A_264, %parallel_loop3A_265, %parallel_loop3A_266, %parallel_loop3A_267] : memref<2x8x8x129xf32, #tpu.memory_space<vmem>> -> memref<1x8x8x129xf32, #tpu.memory_space<vmem>>
        %parallel_loop3A_269 = tpu.memref_squeeze %parallel_loop3A_268 : memref<1x8x8x129xf32, #tpu.memory_space<vmem>> -> memref<8x8x129xf32, #tpu.memory_space<vmem>>
        tpu.vector_store_idx %parallel_loop3A_269[%shift_right_logical3A_19, %and3A_30, %parallel_loop3A_259], %parallel_loop3A_263 : memref<8x8x129xf32, #tpu.memory_space<vmem>>[vector<16xi32>, vector<16xi32>, vector<16xi32>], vector<16xf32>,
        %parallel_loop3A_270 = arith.index_cast %select_n3A_225 : i32 to index
        %parallel_loop3A_271 = arith.index_cast %parallel_loop3A_255 : i32 to index
        %parallel_loop3A_272 = arith.constant 16 : index
        %parallel_loop3A_273 = tpu.vector_load %arg7[%parallel_loop3A_270, %parallel_loop3A_271, %parallel_loop3A_272] {strides = array<i32>} : memref<4x128x64xf32, #tpu.memory_space<vmem>>, vector<16xf32>,
        %parallel_loop3A_274 = arith.constant 1 : i32
        %parallel_loop3A_275 = arith.constant 0 : i32
        %parallel_loop3A_276 = arith.constant 0 : i32
        %parallel_loop3A_277 = arith.constant 0 : i32
        %parallel_loop3A_278 = tpu.memref_slice %arg8[%parallel_loop3A_274, %parallel_loop3A_275, %parallel_loop3A_276, %parallel_loop3A_277] : memref<2x8x8x129xf32, #tpu.memory_space<vmem>> -> memref<1x8x8x129xf32, #tpu.memory_space<vmem>>
        %parallel_loop3A_279 = tpu.memref_squeeze %parallel_loop3A_278 : memref<1x8x8x129xf32, #tpu.memory_space<vmem>> -> memref<8x8x129xf32, #tpu.memory_space<vmem>>
        tpu.vector_store_idx %parallel_loop3A_279[%shift_right_logical3A_22, %and3A_33, %parallel_loop3A_259], %parallel_loop3A_273 : memref<8x8x129xf32, #tpu.memory_space<vmem>>[vector<16xi32>, vector<16xi32>, vector<16xi32>], vector<16xf32>,
        %parallel_loop3A_280 = arith.index_cast %select_n3A_225 : i32 to index
        %parallel_loop3A_281 = arith.index_cast %parallel_loop3A_255 : i32 to index
        %parallel_loop3A_282 = arith.constant 32 : index
        %parallel_loop3A_283 = tpu.vector_load %arg7[%parallel_loop3A_280, %parallel_loop3A_281, %parallel_loop3A_282] {strides = array<i32>} : memref<4x128x64xf32, #tpu.memory_space<vmem>>, vector<16xf32>,
        %parallel_loop3A_284 = arith.constant 1 : i32
        %parallel_loop3A_285 = arith.constant 0 : i32
        %parallel_loop3A_286 = arith.constant 0 : i32
        %parallel_loop3A_287 = arith.constant 0 : i32
        %parallel_loop3A_288 = tpu.memref_slice %arg8[%parallel_loop3A_284, %parallel_loop3A_285, %parallel_loop3A_286, %parallel_loop3A_287] : memref<2x8x8x129xf32, #tpu.memory_space<vmem>> -> memref<1x8x8x129xf32, #tpu.memory_space<vmem>>
        %parallel_loop3A_289 = tpu.memref_squeeze %parallel_loop3A_288 : memref<1x8x8x129xf32, #tpu.memory_space<vmem>> -> memref<8x8x129xf32, #tpu.memory_space<vmem>>
        tpu.vector_store_idx %parallel_loop3A_289[%shift_right_logical3A_25, %and3A_36, %parallel_loop3A_259], %parallel_loop3A_283 : memref<8x8x129xf32, #tpu.memory_space<vmem>>[vector<16xi32>, vector<16xi32>, vector<16xi32>], vector<16xf32>,
        %parallel_loop3A_290 = arith.index_cast %select_n3A_225 : i32 to index
        %parallel_loop3A_291 = arith.index_cast %parallel_loop3A_255 : i32 to index
        %parallel_loop3A_292 = arith.constant 48 : index
        %parallel_loop3A_293 = tpu.vector_load %arg7[%parallel_loop3A_290, %parallel_loop3A_291, %parallel_loop3A_292] {strides = array<i32>} : memref<4x128x64xf32, #tpu.memory_space<vmem>>, vector<16xf32>,
        %parallel_loop3A_294 = arith.constant 1 : i32
        %parallel_loop3A_295 = arith.constant 0 : i32
        %parallel_loop3A_296 = arith.constant 0 : i32
        %parallel_loop3A_297 = arith.constant 0 : i32
        %parallel_loop3A_298 = tpu.memref_slice %arg8[%parallel_loop3A_294, %parallel_loop3A_295, %parallel_loop3A_296, %parallel_loop3A_297] : memref<2x8x8x129xf32, #tpu.memory_space<vmem>> -> memref<1x8x8x129xf32, #tpu.memory_space<vmem>>
        %parallel_loop3A_299 = tpu.memref_squeeze %parallel_loop3A_298 : memref<1x8x8x129xf32, #tpu.memory_space<vmem>> -> memref<8x8x129xf32, #tpu.memory_space<vmem>>
        tpu.vector_store_idx %parallel_loop3A_299[%shift_right_logical3A_28, %and3A_39, %parallel_loop3A_259], %parallel_loop3A_293 : memref<8x8x129xf32, #tpu.memory_space<vmem>>[vector<16xi32>, vector<16xi32>, vector<16xi32>], vector<16xf32>,
      } {sc.loop_unroll_factor = 8 : i64, sc.parallel_access}
      %ge3A_229 = arith.constant 2 : i32
      %ge3A_230 = arith.cmpi sge, %add3A_189, %ge3A_229 : i32
      %convert_element_type3A_231 = arith.extui %ge3A_230 : i1 to i32
      %cond3A_232 = arith.constant 0 : i32
      %cond3A_233 = arith.cmpi ne, %convert_element_type3A_231, %cond3A_232 : i32
      scf.if %cond3A_233 {
        %dma_wait3A_255 = arith.constant 0 : i32
        %dma_wait3A_256 = arith.constant 0 : i32
        %dma_wait3A_257 = arith.constant 0 : i32
        %dma_wait3A_258 = arith.constant 0 : i32
        %dma_wait3A_259 = arith.constant 0 : i32
        %dma_wait3A_260 = arith.constant 0 : i32
        %dma_wait3A_261 = tpu.memref_slice %arg8[%dma_wait3A_255, %dma_wait3A_258, %dma_wait3A_259, %dma_wait3A_260] : memref<2x8x8x129xf32, #tpu.memory_space<vmem>> -> memref<1x8x8x128xf32, #tpu.memory_space<vmem>>
        %dma_wait3A_262 = tpu.memref_squeeze %dma_wait3A_261 : memref<1x8x8x128xf32, #tpu.memory_space<vmem>> -> memref<8x8x128xf32, #tpu.memory_space<vmem>>
        %dma_wait3A_263 = arith.constant 0 : i32
        %dma_wait3A_264 = arith.constant 0 : i32
        %dma_wait3A_265 = arith.constant 0 : i32
        %dma_wait3A_266 = tpu.memref_slice %arg4[%dma_wait3A_256, %dma_wait3A_263, %dma_wait3A_257, %dma_wait3A_264, %dma_wait3A_265] : memref<200x8x32x8x128xf32, #tpu.memory_space<hbm>> -> memref<1x8x1x8x128xf32, #tpu.memory_space<hbm>>
        %dma_wait3A_267 = tpu.memref_squeeze %dma_wait3A_266 : memref<1x8x1x8x128xf32, #tpu.memory_space<hbm>> -> memref<8x8x128xf32, #tpu.memory_space<hbm>>
        %dma_wait3A_268 = arith.constant 0 : i32
        %dma_wait3A_269 = arith.constant 0 : i32
        %dma_wait3A_270 = arith.constant 0 : i32
        %dma_wait3A_271 = tpu.memref_slice %arg4[%dma_wait3A_256, %dma_wait3A_268, %dma_wait3A_257, %dma_wait3A_269, %dma_wait3A_270] : memref<200x8x32x8x128xf32, #tpu.memory_space<hbm>> -> memref<1x8x1x8x128xf32, #tpu.memory_space<hbm>>
        %dma_wait3A_272 = tpu.memref_squeeze %dma_wait3A_271 : memref<1x8x1x8x128xf32, #tpu.memory_space<hbm>> -> memref<8x8x128xf32, #tpu.memory_space<hbm>>
        %dma_wait3A_273 = arith.constant 0 : i32
        %dma_wait3A_274 = arith.constant 0 : i32
        %dma_wait3A_275 = arith.constant 0 : i32
        %dma_wait3A_276 = tpu.memref_slice %arg8[%dma_wait3A_255, %dma_wait3A_273, %dma_wait3A_274, %dma_wait3A_275] : memref<2x8x8x129xf32, #tpu.memory_space<vmem>> -> memref<1x8x8x128xf32, #tpu.memory_space<vmem>>
        %dma_wait3A_277 = tpu.memref_squeeze %dma_wait3A_276 : memref<1x8x8x128xf32, #tpu.memory_space<vmem>> -> memref<8x8x128xf32, #tpu.memory_space<vmem>>
        tpu.wait_dma2 semaphore(%arg10 : memref<!tpu.dma_semaphore, #tpu.memory_space<semaphore_mem>>) src(%dma_wait3A_277 : memref<8x8x128xf32, #tpu.memory_space<vmem>>) dst(%dma_wait3A_272 : memref<8x8x128xf32, #tpu.memory_space<hbm>>)
      } else {
      }
      %dma_start3A_234 = arith.constant 1 : i32
      %dma_start3A_235 = arith.constant 0 : i32
      %dma_start3A_236 = arith.constant 0 : i32
      %dma_start3A_237 = arith.constant 0 : i32
      %dma_start3A_238 = tpu.memref_slice %arg8[%dma_start3A_234, %dma_start3A_235, %dma_start3A_236, %dma_start3A_237] : memref<2x8x8x129xf32, #tpu.memory_space<vmem>> -> memref<1x8x8x128xf32, #tpu.memory_space<vmem>>
      %dma_start3A_239 = tpu.memref_squeeze %dma_start3A_238 : memref<1x8x8x128xf32, #tpu.memory_space<vmem>> -> memref<8x8x128xf32, #tpu.memory_space<vmem>>
      %dma_start3A_240 = arith.constant 0 : i32
      %dma_start3A_241 = arith.constant 0 : i32
      %dma_start3A_242 = arith.constant 0 : i32
      %dma_start3A_243 = tpu.memref_slice %arg4[%add3A_189, %dma_start3A_240, %add3A, %dma_start3A_241, %dma_start3A_242] : memref<200x8x32x8x128xf32, #tpu.memory_space<hbm>> -> memref<1x8x1x8x128xf32, #tpu.memory_space<hbm>>
      %dma_start3A_244 = tpu.memref_squeeze %dma_start3A_243 : memref<1x8x1x8x128xf32, #tpu.memory_space<hbm>> -> memref<8x8x128xf32, #tpu.memory_space<hbm>>
      %dma_start3A_245 = arith.constant 0 : i32
      %dma_start3A_246 = arith.constant 0 : i32
      %dma_start3A_247 = arith.constant 0 : i32
      %dma_start3A_248 = tpu.memref_slice %arg4[%add3A_189, %dma_start3A_245, %add3A, %dma_start3A_246, %dma_start3A_247] : memref<200x8x32x8x128xf32, #tpu.memory_space<hbm>> -> memref<1x8x1x8x128xf32, #tpu.memory_space<hbm>>
      %dma_start3A_249 = tpu.memref_squeeze %dma_start3A_248 : memref<1x8x1x8x128xf32, #tpu.memory_space<hbm>> -> memref<8x8x128xf32, #tpu.memory_space<hbm>>
      %dma_start3A_250 = arith.constant 0 : i32
      %dma_start3A_251 = arith.constant 0 : i32
      %dma_start3A_252 = arith.constant 0 : i32
      %dma_start3A_253 = tpu.memref_slice %arg8[%dma_start3A_234, %dma_start3A_250, %dma_start3A_251, %dma_start3A_252] : memref<2x8x8x129xf32, #tpu.memory_space<vmem>> -> memref<1x8x8x128xf32, #tpu.memory_space<vmem>>
      %dma_start3A_254 = tpu.memref_squeeze %dma_start3A_253 : memref<1x8x8x128xf32, #tpu.memory_space<vmem>> -> memref<8x8x128xf32, #tpu.memory_space<vmem>>
      tpu.enqueue_dma source(%dma_start3A_254 : memref<8x8x128xf32, #tpu.memory_space<vmem>>) target(%dma_start3A_249 : memref<8x8x128xf32, #tpu.memory_space<hbm>>) target_semaphore(%arg10 : memref<!tpu.dma_semaphore, #tpu.memory_space<semaphore_mem>>)
    }
    %scan3A_81 = arith.constant 100 : i32
    %dma_wait3A = arith.constant 0 : i32
    %dma_wait3A_82 = arith.constant 0 : i32
    %dma_wait3A_83 = arith.constant 0 : i32
    %dma_wait3A_84 = arith.constant 0 : i32
    %dma_wait3A_85 = arith.constant 0 : i32
    %dma_wait3A_86 = arith.constant 0 : i32
    %dma_wait3A_87 = tpu.memref_slice %arg8[%dma_wait3A, %dma_wait3A_84, %dma_wait3A_85, %dma_wait3A_86] : memref<2x8x8x129xf32, #tpu.memory_space<vmem>> -> memref<1x8x8x128xf32, #tpu.memory_space<vmem>>
    %dma_wait3A_88 = tpu.memref_squeeze %dma_wait3A_87 : memref<1x8x8x128xf32, #tpu.memory_space<vmem>> -> memref<8x8x128xf32, #tpu.memory_space<vmem>>
    %dma_wait3A_89 = arith.constant 0 : i32
    %dma_wait3A_90 = arith.constant 0 : i32
    %dma_wait3A_91 = arith.constant 0 : i32
    %dma_wait3A_92 = tpu.memref_slice %arg4[%dma_wait3A_82, %dma_wait3A_89, %dma_wait3A_83, %dma_wait3A_90, %dma_wait3A_91] : memref<200x8x32x8x128xf32, #tpu.memory_space<hbm>> -> memref<1x8x1x8x128xf32, #tpu.memory_space<hbm>>
    %dma_wait3A_93 = tpu.memref_squeeze %dma_wait3A_92 : memref<1x8x1x8x128xf32, #tpu.memory_space<hbm>> -> memref<8x8x128xf32, #tpu.memory_space<hbm>>
    %dma_wait3A_94 = arith.constant 0 : i32
    %dma_wait3A_95 = arith.constant 0 : i32
    %dma_wait3A_96 = arith.constant 0 : i32
    %dma_wait3A_97 = tpu.memref_slice %arg4[%dma_wait3A_82, %dma_wait3A_94, %dma_wait3A_83, %dma_wait3A_95, %dma_wait3A_96] : memref<200x8x32x8x128xf32, #tpu.memory_space<hbm>> -> memref<1x8x1x8x128xf32, #tpu.memory_space<hbm>>
    %dma_wait3A_98 = tpu.memref_squeeze %dma_wait3A_97 : memref<1x8x1x8x128xf32, #tpu.memory_space<hbm>> -> memref<8x8x128xf32, #tpu.memory_space<hbm>>
    %dma_wait3A_99 = arith.constant 0 : i32
    %dma_wait3A_100 = arith.constant 0 : i32
    %dma_wait3A_101 = arith.constant 0 : i32
    %dma_wait3A_102 = tpu.memref_slice %arg8[%dma_wait3A, %dma_wait3A_99, %dma_wait3A_100, %dma_wait3A_101] : memref<2x8x8x129xf32, #tpu.memory_space<vmem>> -> memref<1x8x8x128xf32, #tpu.memory_space<vmem>>
    %dma_wait3A_103 = tpu.memref_squeeze %dma_wait3A_102 : memref<1x8x8x128xf32, #tpu.memory_space<vmem>> -> memref<8x8x128xf32, #tpu.memory_space<vmem>>
    tpu.wait_dma2 semaphore(%arg10 : memref<!tpu.dma_semaphore, #tpu.memory_space<semaphore_mem>>) src(%dma_wait3A_103 : memref<8x8x128xf32, #tpu.memory_space<vmem>>) dst(%dma_wait3A_98 : memref<8x8x128xf32, #tpu.memory_space<hbm>>)
    %dma_wait3A_104 = arith.constant 0 : i32
    %dma_wait3A_105 = arith.constant 0 : i32
    %dma_wait3A_106 = arith.constant 0 : i32
    %dma_wait3A_107 = arith.constant 0 : i32
    %dma_wait3A_108 = arith.constant 0 : i32
    %dma_wait3A_109 = arith.constant 0 : i32
    %dma_wait3A_110 = tpu.memref_slice %arg8[%dma_wait3A_104, %dma_wait3A_107, %dma_wait3A_108, %dma_wait3A_109] : memref<2x8x8x129xf32, #tpu.memory_space<vmem>> -> memref<1x8x8x128xf32, #tpu.memory_space<vmem>>
    %dma_wait3A_111 = tpu.memref_squeeze %dma_wait3A_110 : memref<1x8x8x128xf32, #tpu.memory_space<vmem>> -> memref<8x8x128xf32, #tpu.memory_space<vmem>>
    %dma_wait3A_112 = arith.constant 0 : i32
    %dma_wait3A_113 = arith.constant 0 : i32
    %dma_wait3A_114 = arith.constant 0 : i32
    %dma_wait3A_115 = tpu.memref_slice %arg4[%dma_wait3A_105, %dma_wait3A_112, %dma_wait3A_106, %dma_wait3A_113, %dma_wait3A_114] : memref<200x8x32x8x128xf32, #tpu.memory_space<hbm>> -> memref<1x8x1x8x128xf32, #tpu.memory_space<hbm>>
    %dma_wait3A_116 = tpu.memref_squeeze %dma_wait3A_115 : memref<1x8x1x8x128xf32, #tpu.memory_space<hbm>> -> memref<8x8x128xf32, #tpu.memory_space<hbm>>
    %dma_wait3A_117 = arith.constant 0 : i32
    %dma_wait3A_118 = arith.constant 0 : i32
    %dma_wait3A_119 = arith.constant 0 : i32
    %dma_wait3A_120 = tpu.memref_slice %arg4[%dma_wait3A_105, %dma_wait3A_117, %dma_wait3A_106, %dma_wait3A_118, %dma_wait3A_119] : memref<200x8x32x8x128xf32, #tpu.memory_space<hbm>> -> memref<1x8x1x8x128xf32, #tpu.memory_space<hbm>>
    %dma_wait3A_121 = tpu.memref_squeeze %dma_wait3A_120 : memref<1x8x1x8x128xf32, #tpu.memory_space<hbm>> -> memref<8x8x128xf32, #tpu.memory_space<hbm>>
    %dma_wait3A_122 = arith.constant 0 : i32
    %dma_wait3A_123 = arith.constant 0 : i32
    %dma_wait3A_124 = arith.constant 0 : i32
    %dma_wait3A_125 = tpu.memref_slice %arg8[%dma_wait3A_104, %dma_wait3A_122, %dma_wait3A_123, %dma_wait3A_124] : memref<2x8x8x129xf32, #tpu.memory_space<vmem>> -> memref<1x8x8x128xf32, #tpu.memory_space<vmem>>
    %dma_wait3A_126 = tpu.memref_squeeze %dma_wait3A_125 : memref<1x8x8x128xf32, #tpu.memory_space<vmem>> -> memref<8x8x128xf32, #tpu.memory_space<vmem>>
    tpu.wait_dma2 semaphore(%arg10 : memref<!tpu.dma_semaphore, #tpu.memory_space<semaphore_mem>>) src(%dma_wait3A_126 : memref<8x8x128xf32, #tpu.memory_space<vmem>>) dst(%dma_wait3A_121 : memref<8x8x128xf32, #tpu.memory_space<hbm>>)
    return
  }
}

</mosaic_0001>

<sc_bundles>
// kernel: kernel.3.cloned.1.call-start
scs
__scs_entry_jumppad:
0x0: {  	(pc) =	sbr.rel $0x88, $3  }
0x1: {  	(tag) =	ssettag $0x0;
	lr =	simm.s32 $0x1  }
0x2: {  	[smem:$0x3F9F] =	sst lr;
	_ =	strace $0xD0000000  }
0x3: {  	_ = 	snop  }
0x4: {  	_ = 	snop  }
0x5: {  	_ = 	snop  }
0x6: {  	_ = 	snop  }
0x7: {  	_ = 	snop  }
__scs_overlays_trampoline_lowered:
0x8: {  	[smem:$0x3FAE] =	sst s0  }
0x9: {  	[smem:$0x3FAF] =	sst s1  }
0xa: {  	[smem:$0x3FB0] =	sst s2  }
0xb: {  	[smem:$0x3FB1] =	sst s3  }
0xc: {  	[smem:$0x3FB2] =	sst s4  }
0xd: {  	[smem:$0x3FB3] =	sst s5  }
0xe: {  	[smem:$0x3FB4] =	sst s6  }
0xf: {  	[smem:$0x3FB5] =	sst s7  }
0x10: {  	[smem:$0x3FB6] =	sst s8  }
0x11: {  	[smem:$0x3FB7] =	sst s9;
	s0 =	simm.s32 @!p0 $0x0  }
0x12: {  	s1 =	sld [smem:$0x3F9D];
	s0 =	simm.s32 @p0 $0x1  }
0x13: {  	[smem:$0x3FB8] =	sst s0;
	s0 =	simm.s32 @!p1 $0x0  }
0x14: {  	s2 =	sld [smem:$0x3F9C];
	s0 =	simm.s32 @p1 $0x1  }
0x15: {  	[smem:$0x3FB9] =	sst s0;
	s0 =	simm.s32 @!p2 $0x0  }
0x16: {  	s3 =	sld [smem:$0x3FDB];
	s0 =	simm.s32 @p2 $0x1  }
0x17: {  	s4 =	simm.s32 $0x1BF5;
	[smem:$0x3FBB] =	sst s0  }
0x18: {  	s0 =	sld [smem:$0x3F9E];
	_ =	swait.ge [sflag:s4], $0x0  }
0x19: {  	s7 =	sld [smem:$0x3F9F]  }
0x1a: {  	s8 =	sadd.s32 $0xFFFFE003, lr  }
0x1b: {  	s9 =	sadd.s32 $0xFFFFFEF7, lr;
	s5 =	simm.s32 $0xFFFFFFFF;
	p2 =	slt.u32 s8, $0xFFFFF086  }
0x1c: {  	p1 =	slt.u32 s9, $0xF7A;
	s5 =	simm.s32 @!p2 $0x0  }
0x1d: {  	s5 =	simm.s32 @p1 $0x1;
	p0 =	seq.s32 s7, s2  }
0x1e: {  	s7 =	smul.u32 @!p0 $0xF7A, s2;
	p2 =	seq.s32 @!p0 s5, $0x0  }
0x1f: {  	s9 =	smul.u32 $0xF7A, s1;
	s8 =	simm.s32 @!p0 $0x1BF5;
	p2 =	por !p2, p0  }
0x20: {  	[sflag:s8] =	ssyncset.s32 @!p0 $0xFFFFF086;
	s6 =	sadd.s32 @!p0 s3, s7;
	s7 =	simm.s32 @!p0 $0x108  }
0x21: {  	s3 =	sadd.s32 s3, s9;
	s6 =	sadd.s32 @!p0 $0x88, s6;
	s7 =	simm.s32 @p2 $0x1082  }
0x22: {  	[simem:s7], [sflag:s8] =	dma.local @!p0 [hbm:s6], $0xF7A  }
0x23: {  	s9 =	sor.u32 $0xD0000000, s2;
	s6 =	simm.s32 $0x108;
	_ =	swait.ge @!p0 [sflag:s8], $0x0  }
0x24: {  	s3 =	sadd.s32 $0x88, s3;
	s6 =	simm.s32 @!p1 $0x1082;
	[sflag:s4] =	ssyncset.s32 $0xFFFFF086  }
0x25: {  	[simem:s6], [sflag:s4] =	dma.local [hbm:s3], $0xF7A  }
0x26: {  	[smem:$0x3F9F] =	sst s1;
	(tag) =	ssettag s2;
	_ =	strace s9  }
0x27: {  	s1 =	sld [smem:$0x3FAF]  }
0x28: {  	s2 =	sld [smem:$0x3FB0]  }
0x29: {  	s4 =	sld [smem:$0x3FB2]  }
0x2a: {  	p0 =	seq.s32 s5, $0x0;
	s5 =	sld [smem:$0x3FB3]  }
0x2b: {  	s6 =	sld [smem:$0x3FB4]  }
0x2c: {  	s7 =	sld [smem:$0x3FB5]  }
0x2d: {  	s3 =	simm.s32 $0x108;
	s8 =	sld [smem:$0x3FB6]  }
0x2e: {  	s3 =	simm.s32 @!p0 $0x1082;
	s9 =	sld [smem:$0x3FB7]  }
0x2f: {  	lr =	sadd.s32 s0, s3;
	s0 =	sld [smem:$0x3FAE]  }
0x30: {  	s3 =	sld [smem:$0x3FB1]  }
0x31: {  	[smem:$0x3FBA] =	sst s10  }
0x32: {  	s10 =	sld [smem:$0x3FB8];
	_ =	sdelay $0x3  }
0x33: {  	p0 =	seq.s32 s10, $0x1;
	s10 =	sld [smem:$0x3FBA];
	_ =	sdelay $0x3  }
0x34: {  	[smem:$0x3FBA] =	sst s10  }
0x35: {  	s10 =	sld [smem:$0x3FB9];
	_ =	sdelay $0x3  }
0x36: {  	p1 =	seq.s32 s10, $0x1;
	s10 =	sld [smem:$0x3FBA];
	_ =	sdelay $0x3  }
0x37: {  	[smem:$0x3FBA] =	sst s10  }
0x38: {  	s10 =	sld [smem:$0x3FBB]  }
0x39: {  	_ = 	snop;
	(pc) =	sbr.ind lr, $3  }
0x3a: {  	_ = 	snop  }
0x3b: {  	_ = 	snop  }
0x3c: {  	p2 =	seq.s32 s10, $0x1;
	s10 =	sld [smem:$0x3FBA]  }
0x3d: {  	_ =	shalt  }
0x3e: {  	_ =	shalt  }
0x3f: {  	_ =	shalt  }
0x40: {  	_ =	shalt  }
0x41: {  	_ =	shalt  }
0x42: {  	_ =	shalt  }
0x43: {  	_ =	shalt  }
0x44: {  	_ =	shalt  }
0x45: {  	_ =	shalt  }
0x46: {  	_ =	shalt  }
0x47: {  	_ =	shalt  }
0x48: {  	_ =	shalt  }
0x49: {  	_ =	shalt  }
0x4a: {  	_ =	shalt  }
0x4b: {  	_ =	shalt  }
0x4c: {  	_ =	shalt  }
0x4d: {  	_ =	shalt  }
0x4e: {  	_ =	shalt  }
0x4f: {  	_ =	shalt  }
0x50: {  	_ =	shalt  }
0x51: {  	_ =	shalt  }
0x52: {  	_ =	shalt  }
0x53: {  	_ =	shalt  }
0x54: {  	_ =	shalt  }
0x55: {  	_ =	shalt  }
0x56: {  	_ =	shalt  }
0x57: {  	_ =	shalt  }
0x58: {  	_ =	shalt  }
0x59: {  	_ =	shalt  }
0x5a: {  	_ =	shalt  }
0x5b: {  	_ =	shalt  }
0x5c: {  	_ =	shalt  }
0x5d: {  	_ =	shalt  }
0x5e: {  	_ =	shalt  }
0x5f: {  	_ =	shalt  }
0x60: {  	_ =	shalt  }
0x61: {  	_ =	shalt  }
0x62: {  	_ =	shalt  }
0x63: {  	_ =	shalt  }
0x64: {  	_ =	shalt  }
0x65: {  	_ =	shalt  }
0x66: {  	_ =	shalt  }
0x67: {  	_ =	shalt  }
0x68: {  	_ =	shalt  }
0x69: {  	_ =	shalt  }
0x6a: {  	_ =	shalt  }
0x6b: {  	_ =	shalt  }
0x6c: {  	_ =	shalt  }
0x6d: {  	_ =	shalt  }
0x6e: {  	_ =	shalt  }
0x6f: {  	_ =	shalt  }
0x70: {  	_ =	shalt  }
0x71: {  	_ =	shalt  }
0x72: {  	_ =	shalt  }
0x73: {  	_ =	shalt  }
0x74: {  	_ =	shalt  }
0x75: {  	_ =	shalt  }
0x76: {  	_ =	shalt  }
0x77: {  	_ =	shalt  }
0x78: {  	_ =	shalt  }
0x79: {  	_ =	shalt  }
0x7a: {  	_ =	shalt  }
0x7b: {  	_ =	shalt  }
0x7c: {  	_ =	shalt  }
0x7d: {  	_ =	shalt  }
0x7e: {  	_ =	shalt  }
0x7f: {  	_ =	shalt  }
0x80: {  	_ =	shalt  }
0x81: {  	_ =	shalt  }
0x82: {  	_ =	shalt  }
0x83: {  	_ =	shalt  }
0x84: {  	_ =	shalt  }
0x85: {  	_ =	shalt  }
0x86: {  	_ =	shalt  }
0x87: {  	_ =	shalt  }
.Lfunc_end0:
.L_simem_size_0:
called_computation_lowered:
.L_overlay_start_0:
0x88: {  	s2 =	sld [smem:$0x3FD9]  }
0x89: {  	s3 =	sld [smem:$0x3FFE];
	_ =	sdelay $0x1  }
0x8a: {  	s1 =	srdreg.scid  }
0x8b: {  	s0 =	sand.u32 $0x1, s1  }
0x8c: {  	s17 =	sshll.u32 s0, $0xA;
	s2 =	sadd.s32 s3, s2  }
0x8d: {  	s2 =	sadd.s32 s2, s17  }
0x8e: {  	[smem:$0x3FC6] =	sst s2  }
0x8f: {  	_ = 	snop  }
0x90: {  	s2 =	sld [smem:$0x3FD0];
	(tm) =	ssettm $0x1  }
0x91: {  	s18 =	sld [smem:$0x3FFB];
	_ =	sdelay $0x3  }
0x92: {  	_ =	strace s18  }
0x93: {  	s3 =	sld [smem:$0x3FFC];
	_ =	sdelay $0x3  }
0x94: {  	_ =	strace s3  }
0x95: {  	s3 =	sld [smem:$0x3FFD];
	_ =	sdelay $0x3  }
0x96: {  	_ =	strace s3  }
0x97: {  	_ =	strace $0x8FFFFFFF  }
0x98: {  	s19 =	sld [smem:$0x3FDB];
	_ =	sdelay $0x1  }
0x99: {  	s4 =	simm.s32 $_scs_section_size  }
0x9a: {  	s5 =	simm.s32 $_size__tile_overlayer_lowered;
	s6 =	simm.s32 $_tile_overlayer_lowered  }
0x9b: {  	s22 =	simm.s32 $0x1BFF;
	s21 =	sshll.u32 s6, $0x1;
	s3 =	sadd.s32 s4, s19  }
0x9c: {  	s7 =	simm.s32 $0x0;
	s20 =	sshll.u32 s5, $0x1;
	s5 =	sadd.s32 s21, s3  }
0x9d: {  	[timem:s7], [sflag:s22] =	dma.local [hbm:s5], s20  }
0x9e: {  	_ =	swait.ge [sflag:s22], s20  }
0x9f: {  	s4 =	ssub.s32 $0x0, s20;
	[sflag:s22] =	ssyncset.done $0x0  }
0xa0: {  	[sflag:s22] =	ssyncadd.s32 s4;
	_ =	sdelay $0x1  }
0xa1: {  	s23 =	simm.s32 $0x1B8B  }
0xa2: {  	_ =	swait.ge [sflag:s23], $0x1  }
0xa3: {  	[sflag:s23] =	ssyncset.done $0x0  }
0xa4: {  	s25 =	simm.s32 $0x1B8E;
	s24 =	sld [smem:$0x3FFE];
	[sflag:s23] =	ssyncadd.s32 $0xFFFFFFFF  }
0xa5: {  	s26 =	simm.s32 $execute0_lowered;
	[smem:$0x3FD2] =	sst s25  }
0xa6: {  	s5 =	sshll.u32 s26, $0x1;
	_ =	strace $0x80000046;
	[dreg:$0x1] =	wrdreg $0xFFFFFFFF  }
0xa7: {  	s28 =	simm.s32 $_size_execute0_lowered;
	s3 =	sadd.s32 s3, s5;
	[dreg:$0x0] =	wrdreg $0x0  }
0xa8: {  	s5 =	sshll.u32 s28, $0x1;
	[dreg:$0x2] =	wrdreg s3  }
0xa9: {  	[dreg:$0x3] =	wrdreg s5  }
0xaa: {  	[dreg:$0x4] =	wrdreg $0xC0  }
0xab: {  	_ =	task [dreg:s7], $0x5FFFF  }
0xac: {  	[dreg:$0x1] =	wrdreg $0xFFFFFFFF  }
0xad: {  	[dreg:$0x0] =	wrdreg $0x60  }
0xae: {  	[dreg:$0x2] =	wrdreg s24  }
0xaf: {  	[dreg:$0x3] =	wrdreg s2  }
0xb0: {  	[dreg:$0x4] =	wrdreg $0x9  }
0xb1: {  	_ =	task.clear_ibuf [dreg:s7], $0x5FFFF;
	_ =	strace $0x90000046  }
0xb2: {  	s29 =	simm.s32 $0x9;
	_ =	strace $0x80000048  }
0xb3: {  	_ =	swait.ge [sflag:s29], $0x1  }
0xb4: {  	[sflag:s29] =	ssyncadd.s32 $0xFFFFFFFF  }
0xb5: {  	_ =	strace $0x90000048  }
0xb6: {  	_ =	sfence  }
0xb7: {  	s30 =	sld [smem:$0x0];
	_ =	sdelay $0x2  }
0xb8: {  	s31 =	sshll.u32 s1, $0xD;
	s1 =	sshrl.u32 s1, $0x2  }
0xb9: {  	s3 =	sand.u32 $0x4000, s31;
	s1 =	sadd.s32 s1, s30  }
0xba: {  	s0 =	sor.u32 s3, s0;
	s1 =	sshll.u32 s1, $0x11  }
0xbb: {  	s0 =	sor.u32 s1, s0  }
0xbc: {  	s0 =	sadd.s32 $0x8F2B, s0  }
0xbd: {  	[sflag:s0] =	ssyncadd.remote.s32 $0x1  }
0xbe: {  	_ =	sfence.sel $0xFFFF  }
0xbf: {  	[dreg:$0x0] =	wrdreg $0xFFFFFFFF;
	(pc) =	sbr.abs _section_cstart, $3  }
0xc0: {  	[dreg:$0x1] =	wrdreg $0xFFFFFFFF  }
0xc1: {  	_ =	task.clear_ibuf [dreg:s7], $0x2FFFF;
	_ =	strace $0x9FFFFFFF  }
0xc2: {  	(tm) =	ssettm $0x7FFFFFFF  }
0xc3: {  	_ =	shalt  }
tec
execute0_lowered:
.L_overlay_start_1:
0x0: {  	(tag) =	ssettag $0x1  }
0x1: {  	v1 =	vlaneseq.u32  }
0x2: {  	v0 =	vmul.u32 $0x88, v1  }
0x3: {  	v2 =	vimm.s32 $0x0;
	vm0 =	vcmask $0x300  }
0x4: {  	s1 =	srdreg.scid;
	v1 =	vmul.u32 $0xC8, v1;
	v2 =	vsel vm0, $0x3, v2;
	v3 =	vadd.s32 $0x880, v0  }
0x5: {  	s0 =	stileid.u32;
	s4 =	rddreg [dreg:$0x0];
	v4 =	vadd.s32 $0x1100, v0;
	v5 =	vadd.s32 $0x1980, v0;
	v6 =	vor.u32 $0x1, v0  }
0x6: {  	s2 =	rddreg [dreg:$0x1];
	s8 =	simm.s32 $0x3;
	s9 =	simm.s32 $0x80;
	v7 =	vadd.s32 $0x881, v0;
	v8 =	vadd.s32 $0x1101, v0;
	v9 =	vadd.s32 $0x1981, v0  }
0x7: {  	s12 =	simm.s32 $0x6480;
	s13 =	simm.s32 $0xE800;
	s14 =	simm.s32 $0x6500;
	v10 =	vor.u32 $0x2, v0;
	v11 =	vadd.s32 $0x882, v0;
	v12 =	vadd.s32 $0x1102, v0  }
0x8: {  	s15 =	simm.s32 $0x10800;
	s16 =	simm.s32 $0x1;
	s17 =	simm.s32 $0x14800;
	v13 =	vadd.s32 $0x1982, v0;
	v14 =	vor.u32 $0x3, v0;
	v15 =	vadd.s32 $0x883, v0  }
0x9: {  	s18 =	simm.s32 $0x16A00;
	s1 =	sand.u32 $0x1, s1;
	s3 =	sshll.u32 s0, $0x1;
	v16 =	vadd.s32 $0x1103, v0;
	v17 =	vadd.s32 $0x1983, v0;
	v18 =	vor.u32 $0x4, v0  }
0xa: {  	s19 =	simm.s32 $0x2;
	s20 =	simm.s32 $0x0;
	s6 =	sor.u32 s1, s3;
	v19 =	vadd.s32 $0x884, v0;
	v20 =	vadd.s32 $0x1104, v0;
	v21 =	vadd.s32 $0x1984, v0  }
0xb: {  	s3 =	simm.s32 $0x0;
	s1 =	ssub.s32 $0x2, s1;
	s5 =	smul.u32 $0xC80, s6;
	v22 =	vor.u32 $0x5, v0;
	v23 =	vadd.s32 $0x885, v0;
	v24 =	vadd.s32 $0x1105, v0  }
0xc: {  	[smem:$0x7FF] =	sst s3;
	s7 =	sshrl.u32 s1, $0x1;
	s6 =	sshll.u32 s6, $0xA;
	v25 =	vadd.s32 $0x1985, v0;
	v26 =	vor.u32 $0x6, v0;
	v27 =	vadd.s32 $0x886, v0  }
0xd: {  	v28 =	vadd.s32 $0x1106, v0;
	v29 =	vadd.s32 $0x1986, v0;
	v30 =	vor.u32 $0x7, v0;
	_ =	strace $0x80000047;
	s1 =	ssub.s32 s1, s7;
	s5 =	sadd.s32 s5, s4  }
0xe: {  	v31 =	vadd.s32 $0x887, v0;
	v32 =	vadd.s32 $0x1107, v0;
	v33 =	vadd.s32 $0x1987, v0;
	s4 =	sadd.s32 $0xF42A00, s4;
	s7 =	smax.u32 s1, $0x1;
	s5 =	sadd.s32 $0x600, s5  }
.LBB2_1:
0xf: {  	v34 =	vmov s3;
	v35 =	vadd.s32 s3, v1  }
0x10: {  	v35 =	vand.u32 $0x1FF8, v35;
	v34 =	vand.u32 $0x6, v34  }
0x11: {  	v34 =	vor.u32 v34, v35  }
0x12: {  	[tilespmem:s3], [sflag:$0x3] =	stream.linear.gather [hbm4b:s5+s3], $0x6400, $0x38;
	[tilespmem:$0x18C00] =	vst v63  }
0x13: {  	_ =	swait.ge [sflag:s8], $0x6400  }
0x14: {  	s1 =	simm.s32 $0xC80;
	s24 =	simm.s32 $0x1;
	[sflag:s8] =	ssyncset.done $0x0  }
0x15: {  	v53 =	vmov s1;
	v36 =	vadd.s32 s1, v1;
	v54 =	vadd.s32 s24, v1;
	[sflag:s8] =	ssyncadd.s32 $0xFFFF9C00  }
0x16: {  	v36 =	vand.u32 $0x1FF8, v36;
	v35 =	vand.u32 $0x6, v53;
	v34 =	vld.idx.msk [tilespmem:v34+s3+$0x0], $0xffff  }
0x17: {  	s22 =	simm.s32 $0x2;
	v35 =	vor.u32 v35, v36  }
0x18: {  	v38 =	vmov s22;
	v39 =	vadd.s32 s22, v1  }
0x19: {  	v39 =	vand.u32 $0x1FF8, v39;
	v38 =	vand.u32 $0x6, v38  }
0x1a: {  	s25 =	simm.s32 $0x1900;
	s26 =	simm.s32 $0xC81;
	v38 =	vor.u32 v38, v39;
	v36 =	vld.idx.msk [tilespmem:v54+s3+$0x0], $0xffff  }
0x1b: {  	s21 =	simm.s32 $0x3;
	v55 =	vmov s25;
	v37 =	vadd.s32 s25, v1;
	v56 =	vadd.s32 s26, v1;
	[tilespmem:s12+$0xFFFFFF80] =	vst v34  }
0x1c: {  	v40 =	vadd.s32 s21, v1;
	v37 =	vand.u32 $0x3FF8, v37;
	v34 =	vand.u32 $0x6, v55;
	v35 =	vld.idx.msk [tilespmem:v35+s3+$0x0], $0xffff  }
0x1d: {  	s0 =	simm.s32 $0x2580;
	s10 =	simm.s32 $0xC82;
	v34 =	vor.u32 v34, v37  }
0x1e: {  	v57 =	vmov s0;
	v60 =	vmov s10;
	v41 =	vadd.s32 s10, v1  }
0x1f: {  	s11 =	simm.s32 $0x1901;
	s23 =	simm.s32 $0xC83;
	v58 =	vadd.s32 s0, v1;
	v41 =	vand.u32 $0x1FF8, v41;
	v39 =	vand.u32 $0x6, v60;
	v38 =	vld.idx.msk [tilespmem:v38+s3+$0x0], $0xffff;
	[tilespmem:s12+$0x0] =	vst v36  }
0x20: {  	v61 =	vadd.s32 s11, v1;
	s24 =	simm.s32 $0x3200;
	v62 =	vadd.s32 s23, v1;
	v39 =	vor.u32 v39, v41;
	v37 =	vld.idx.msk [tilespmem:v56+s3+$0x0], $0xffff  }
0x21: {  	s23 =	simm.s32 $0x4;
	v59 =	vand.u32 $0x3FF8, v58;
	v42 =	vmov s24;
	v43 =	vadd.s32 s24, v1;
	v40 =	vld.idx.msk [tilespmem:v40+s3+$0x0], $0xffff;
	[tilespmem:s12+$0xFFFFFF90] =	vst v35  }
0x22: {  	s24 =	simm.s32 $0x1902;
	v50 =	vmov s23;
	v52 =	vadd.s32 s23, v1;
	v35 =	vand.u32 $0x6, v57;
	v34 =	vld.idx.msk [tilespmem:v34+s3+$0x0], $0xffff  }
0x23: {  	s21 =	simm.s32 $0x6580;
	v49 =	vmov s24;
	v44 =	vadd.s32 s24, v1;
	v35 =	vor.u32 v35, v59  }
0x24: {  	v51 =	vand.u32 $0x3FF8, v44;
	v44 =	vand.u32 $0x1FF8, v52;
	[tilespmem:s21+$0xFFFFFF80] =	vst v38;
	v38 =	vand.u32 $0x6, v50  }
0x25: {  	s25 =	simm.s32 $0x2581;
	v39 =	vld.idx.msk [tilespmem:v39+s3+$0x0], $0xffff;
	v38 =	vor.u32 v38, v44;
	[tilespmem:s12+$0x10] =	vst v37;
	v37 =	vand.u32 $0x6, v49  }
0x26: {  	s26 =	simm.s32 $0x5;
	s0 =	simm.s32 $0x3E80;
	v48 =	vadd.s32 s25, v1;
	[tilespmem:s21+$0x0] =	vst v40;
	v36 =	vld.idx.msk [tilespmem:v61+s3+$0x0], $0xffff;
	v37 =	vor.u32 v37, v51  }
0x27: {  	s10 =	simm.s32 $0x1903;
	v45 =	vadd.s32 s26, v1;
	v53 =	vmov s0;
	v41 =	vld.idx.msk [tilespmem:v62+s3+$0x0], $0xffff;
	[tilespmem:s12+$0xFFFFFFA0] =	vst v34  }
0x28: {  	s11 =	simm.s32 $0x2582;
	s25 =	simm.s32 $0xC84;
	v63 =	vand.u32 $0x7FF8, v43;
	v42 =	vand.u32 $0x6, v42;
	v55 =	vadd.s32 s10, v1;
	v35 =	vld.idx.msk [tilespmem:v35+s3+$0x0], $0xffff  }
0x29: {  	v58 =	vmov s11;
	s26 =	simm.s32 $0x3201;
	v62 =	vadd.s32 s25, v1;
	v34 =	vor.u32 v42, v63  }
0x2a: {  	v46 =	vadd.s32 s26, v1;
	s10 =	simm.s32 $0x7;
	v43 =	vand.u32 $0x1FF8, v62;
	[tilespmem:s21+$0xFFFFFF90] =	vst v39;
	v61 =	vmov s25;
	v38 =	vld.idx.msk [tilespmem:v38+s3+$0x0], $0xffff  }
0x2b: {  	v52 =	vadd.s32 s10, v1;
	v57 =	vadd.s32 s11, v1;
	v39 =	vand.u32 $0x6, v61;
	[tilespmem:s12+$0x20] =	vst v36;
	v37 =	vld.idx.msk [tilespmem:v37+s3+$0x0], $0xffff  }
0x2c: {  	[tilespmem:s21+$0x10] =	vst v41;
	v59 =	vand.u32 $0x3FF8, v57;
	v39 =	vor.u32 v39, v43;
	v36 =	vand.u32 $0x6, v58;
	v60 =	vld.idx.msk [tilespmem:v48+s3+$0x0], $0xffff  }
0x2d: {  	s24 =	simm.s32 $0x3202;
	v54 =	vadd.s32 s0, v1;
	v40 =	vand.u32 $0x6, v53;
	v44 =	vld.idx.msk [tilespmem:v55+s3+$0x0], $0xffff;
	v36 =	vor.u32 v36, v59;
	[tilespmem:s12+$0xFFFFFFB0] =	vst v35  }
0x2e: {  	v56 =	vand.u32 $0x7FF8, v54;
	v55 =	vmov s24;
	s25 =	simm.s32 $0x4B00;
	v48 =	vadd.s32 s24, v1;
	s24 =	simm.s32 $0x6680;
	v34 =	vld.idx.msk [tilespmem:v34+s3+$0x0], $0xffff  }
0x2f: {  	s11 =	simm.s32 $0xC85;
	v53 =	vmov s25;
	v47 =	vadd.s32 s25, v1;
	s25 =	simm.s32 $0x2583;
	v63 =	vld.idx.msk [tilespmem:v45+s3+$0x0], $0xffff;
	[tilespmem:s24+$0xFFFFFF80] =	vst v38;
	v35 =	vor.u32 v40, v56  }
0x30: {  	s26 =	simm.s32 $0x1904;
	v41 =	vld.idx.msk [tilespmem:v52+s3+$0x0], $0xffff;
	v54 =	vadd.s32 s11, v1;
	v58 =	vadd.s32 s25, v1;
	[tilespmem:s21+$0xFFFFFFA0] =	vst v37  }
0x31: {  	v47 =	vand.u32 $0x5FF8, v47;
	v59 =	vmov s26;
	v39 =	vld.idx.msk [tilespmem:v39+s3+$0x0], $0xffff;
	[tilespmem:s12+$0x30] =	vst v60;
	v60 =	vadd.s32 s26, v1  }
0x32: {  	[tilespmem:s21+$0x20] =	vst v44;
	v57 =	vand.u32 $0x7FF8, v48;
	v38 =	vand.u32 $0x6, v59;
	v36 =	vld.idx.msk [tilespmem:v36+s3+$0x0], $0xffff;
	v48 =	vand.u32 $0x3FF8, v60  }
0x33: {  	v45 =	vand.u32 $0x6, v53;
	v42 =	vand.u32 $0x6, v55;
	s25 =	simm.s32 $0x6;
	s26 =	simm.s32 $0x5780;
	v56 =	vld.idx.msk [tilespmem:v46+s3+$0x0], $0xffff;
	v38 =	vor.u32 v38, v48;
	[tilespmem:s12+$0xFFFFFFC0] =	vst v34  }
0x34: {  	v62 =	vadd.s32 s25, v1;
	v42 =	vor.u32 v42, v57;
	[tilespmem:s24+$0x0] =	vst v63;
	v63 =	vmov s26;
	v35 =	vld.idx.msk [tilespmem:v35+s3+$0x0], $0xffff  }
0x35: {  	v45 =	vor.u32 v45, v47;
	v52 =	vand.u32 $0x1FF8, v62;
	v62 =	vand.u32 $0x6, v63;
	v63 =	vld.idx.msk [tilespmem:v58+s3+$0x0], $0xffff  }
0x36: {  	s0 =	simm.s32 $0x3E81;
	v61 =	vmov s25;
	[tilespmem:s24+$0xFFFFFF90] =	vst v39  }
0x37: {  	s1 =	simm.s32 $0x5782;
	v40 =	vadd.s32 s0, v1;
	[tilespmem:s21+$0xFFFFFFB0] =	vst v36;
	v34 =	vld.idx.msk [tilespmem:v54+s3+$0x0], $0xffff;
	v54 =	vadd.s32 s26, v1;
	s26 =	simm.s32 $0x3203  }
0x38: {  	v47 =	vmov s1;
	v53 =	vand.u32 $0x6, v61;
	s0 =	simm.s32 $0x3E82;
	[tilespmem:s12+$0x40] =	vst v56;
	v38 =	vld.idx.msk [tilespmem:v38+s3+$0x0], $0xffff;
	v60 =	vadd.s32 s26, v1  }
0x39: {  	s28 =	simm.s32 $0x9;
	v50 =	vmov s0;
	v51 =	vadd.s32 s0, v1;
	v42 =	vld.idx.msk [tilespmem:v42+s3+$0x0], $0xffff;
	[tilespmem:s12+$0xFFFFFFD0] =	vst v35;
	v35 =	vor.u32 v53, v52  }
0x3a: {  	s11 =	simm.s32 $0x2584;
	v46 =	vand.u32 $0x6, v50;
	v56 =	vand.u32 $0x7FF8, v51;
	[tilespmem:s21+$0x30] =	vst v63;
	v63 =	vadd.s32 s28, v1;
	v55 =	vld.idx.msk [tilespmem:v45+s3+$0x0], $0xffff  }
0x3b: {  	v57 =	vmov s11;
	s0 =	simm.s32 $0xC86;
	v61 =	vand.u32 $0x7FF8, v54;
	v45 =	vor.u32 v46, v56  }
0x3c: {  	s10 =	simm.s32 $0x1905;
	v58 =	vadd.s32 s11, v1;
	v49 =	vadd.s32 s0, v1;
	v39 =	vld.idx.msk [tilespmem:v40+s3+$0x0], $0xffff;
	v43 =	vor.u32 v62, v61  }
0x3d: {  	v59 =	vand.u32 $0x3FF8, v58;
	v40 =	vand.u32 $0x6, v57;
	v52 =	vadd.s32 s10, v1;
	[tilespmem:s24+$0xFFFFFFA0] =	vst v38;
	v38 =	vld.idx.msk [tilespmem:v60+s3+$0x0], $0xffff  }
0x3e: {  	s29 =	simm.s32 $0x4B02;
	v54 =	vand.u32 $0x1FF8, v49;
	v40 =	vor.u32 v40, v59;
	[tilespmem:s21+$0xFFFFFFC0] =	vst v42;
	v53 =	vmov s0;
	s10 =	simm.s32 $0x4B01;
	v61 =	vld.idx.msk [tilespmem:v35+s3+$0x0], $0xffff  }
0x3f: {  	v36 =	vld.idx.msk [tilespmem:v63+s3+$0x0], $0xffff;
	v56 =	vmov s29;
	v35 =	vand.u32 $0x6, v53;
	[tilespmem:s12+$0xFFFFFFE0] =	vst v55;
	v55 =	vadd.s32 s10, v1  }
0x40: {  	s11 =	simm.s32 $0x3E83;
	v57 =	vadd.s32 s29, v1;
	v42 =	vand.u32 $0x6, v56;
	v62 =	vor.u32 v35, v54;
	s10 =	simm.s32 $0xC87;
	v50 =	vld.idx.msk [tilespmem:v45+s3+$0x0], $0xffff  }
0x41: {  	[tilespmem:s24+$0x10] =	vst v34;
	v35 =	vadd.s32 s11, v1;
	s11 =	simm.s32 $0x3204;
	v49 =	vld.idx.msk [tilespmem:v43+s3+$0x0], $0xffff;
	v51 =	vadd.s32 s10, v1;
	v43 =	vand.u32 $0x5FF8, v57  }
0x42: {  	s26 =	simm.s32 $0x2585;
	[tilespmem:s12+$0x50] =	vst v39;
	s29 =	simm.s32 $0x6780;
	v37 =	vld.idx.msk [tilespmem:v52+s3+$0x0], $0xffff;
	v58 =	vmov s11;
	v59 =	vadd.s32 s11, v1;
	v43 =	vor.u32 v42, v43  }
0x43: {  	s28 =	simm.s32 $0x1906;
	v40 =	vld.idx.msk [tilespmem:v40+s3+$0x0], $0xffff;
	v45 =	vadd.s32 s26, v1;
	v60 =	vand.u32 $0x7FF8, v59;
	[tilespmem:s29+$0xFFFFFF80] =	vst v61;
	v61 =	vand.u32 $0x6, v58  }
0x44: {  	s0 =	simm.s32 $0x5781;
	[tilespmem:s29+$0x0] =	vst v41;
	v52 =	vmov s28;
	v53 =	vadd.s32 s28, v1;
	v39 =	vld.idx.msk [tilespmem:v55+s3+$0x0], $0xffff;
	v46 =	vor.u32 v61, v60  }
0x45: {  	v34 =	vadd.s32 s0, v1;
	s26 =	simm.s32 $0x8;
	v63 =	vand.u32 $0x6, v52;
	v44 =	vld.idx.msk [tilespmem:v62+s3+$0x0], $0xffff;
	v62 =	vand.u32 $0x3FF8, v53;
	[tilespmem:s21+$0xFFFFFFD0] =	vst v50  }
0x46: {  	s30 =	simm.s32 $0xA;
	s31 =	simm.s32 $0x6480;
	s28 =	simm.s32 $0x6780;
	v48 =	vmov s26;
	[tilespmem:s12+$0xFFFFFFF0] =	vst v49;
	v49 =	vadd.s32 s26, v1;
	v41 =	vor.u32 v63, v62;
	v42 =	vld.idx.msk [tilespmem:v51+s3+$0x0], $0xffff  }
.LBB2_2:
0x47: {  	p0 =	slt.u32 s30, $0xC6;
	v49 =	vand.u32 $0x1FF8, v49;
	v48 =	vand.u32 $0x6, v48;
	[tilespmem:s24+$0x20] =	vst v37;
	v37 =	vld.idx.msk [tilespmem:v43+s3+$0x0], $0xffff;
	v43 =	vadd.s32 s1, v1  }
0x48: {  	s1 =	sadd.s32 $0x3E80, s23;
	v48 =	vor.u32 v48, v49;
	[tilespmem:s24+$0xFFFFFFB0] =	vst v40;
	v40 =	vld.idx.msk [tilespmem:v45+s3+$0x0], $0xffff;
	v43 =	vand.u32 $0x7FF8, v43;
	v45 =	vand.u32 $0x6, v47  }
0x49: {  	s0 =	sadd.s32 $0x1901, s25;
	v47 =	vmov s1;
	v49 =	vadd.s32 s1, v1;
	v46 =	vld.idx.msk [tilespmem:v46+s3+$0x0], $0xffff;
	v43 =	vor.u32 v45, v43;
	[tilespmem:s21+$0x40] =	vst v38  }
0x4a: {  	s1 =	sadd.s32 $0x2580, s25;
	v38 =	vadd.s32 s0, v1;
	v45 =	vand.u32 $0x6, v47;
	[tilespmem:s29+$0xFFFFFF90] =	vst v44;
	v44 =	vand.u32 $0x7FF8, v49;
	v47 =	vld.idx.msk [tilespmem:v35+s3+$0x0], $0xffff  }
0x4b: {  	s0 =	sadd.s32 $0x3201, s23;
	v35 =	vmov s1;
	v49 =	vadd.s32 s1, v1;
	v41 =	vld.idx.msk [tilespmem:v41+s3+$0x0], $0xffff;
	v44 =	vor.u32 v45, v44;
	[tilespmem:s31+$0x60] =	vst v39  }
0x4c: {  	s1 =	sadd.s32 $0xC80, s26;
	v39 =	vand.u32 $0x3FF8, v49;
	v35 =	vand.u32 $0x6, v35;
	[tilespmem:s29+$0x10] =	vst v42;
	v42 =	vadd.s32 s0, v1;
	v45 =	vld.idx.msk [tilespmem:v34+s3+$0x0], $0xffff  }
0x4d: {  	v49 =	vadd.s32 s1, v1;
	v34 =	vmov s1;
	v39 =	vor.u32 v35, v39;
	s0 =	sadd.s32 $0x4B01, s22;
	v48 =	vld.idx.msk [tilespmem:v48+s3+$0x0], $0xffff;
	[tilespmem:s21+$0xFFFFFFE0] =	vst v37  }
0x4e: {  	v35 =	vand.u32 $0x1FF8, v49;
	s1 =	sadd.s32 $0x3E81, s23;
	v34 =	vand.u32 $0x6, v34;
	v50 =	vadd.s32 s0, v1;
	s0 =	sadd.s32 $0x5781, s22;
	s22 =	smov.u32 s23;
	[tilespmem:s24+$0x30] =	vst v40;
	v49 =	vld.idx.msk [tilespmem:v43+s3+$0x0], $0xffff  }
0x4f: {  	s10 =	sadd.s32 $0x1, s30;
	s23 =	smov.u32 s25;
	v51 =	vor.u32 v34, v35;
	s11 =	sadd.s32 $0x4B00, s22;
	v35 =	vadd.s32 s1, v1;
	v34 =	vadd.s32 s0, v1;
	v37 =	vld.idx.msk [tilespmem:v38+s3+$0x0], $0xffff;
	[tilespmem:s24+$0xFFFFFFC0] =	vst v46  }
0x50: {  	v52 =	vadd.s32 s10, v1;
	s25 =	smov.u32 s26;
	s0 =	sadd.s32 $0xC81, s26;
	s26 =	smov.u32 s30;
	v38 =	vmov s11;
	v40 =	vadd.s32 s11, v1;
	v53 =	vld.idx.msk [tilespmem:v44+s3+$0x0], $0xffff;
	[tilespmem:s21+$0x50] =	vst v47  }
0x51: {  	v47 =	vadd.s32 s0, v1;
	s0 =	sadd.s32 $0x3200, s23;
	v43 =	vand.u32 $0x6, v38;
	[tilespmem:s29+$0xFFFFFFA0] =	vst v41;
	v41 =	vand.u32 $0x5FF8, v40;
	v38 =	vld.idx.msk [tilespmem:v42+s3+$0x0], $0xffff  }
.Ltmp0:
0x52: {  	v42 =	vadd.s32 s0, v1;
	s29 =	sadd.s32 $0x100, s29;
	v40 =	vld.idx.msk [tilespmem:v39+s3+$0x0], $0xffff;
	v39 =	vmov s0;
	s0 =	sadd.s32 $0x2581, s23;
	v43 =	vor.u32 v43, v41;
	[tilespmem:s31+$0x70] =	vst v45;
	(pc) =	sbr.rel @p0 .LBB2_2-.Ltmp0, $4  }
0x53: {  	s1 =	sadd.s32 $0x1900, s25;
	v41 =	vand.u32 $0x7FF8, v42;
	s31 =	smov.u32 s21;
	s21 =	smov.u32 s24;
	[tilespmem:s29+$0xFFFFFF80] =	vst v48;
	v42 =	vand.u32 $0x6, v39;
	v45 =	vadd.s32 s0, v1;
	v39 =	vld.idx.msk [tilespmem:v50+s3+$0x0], $0xffff  }
0x54: {  	s24 =	smov.u32 s28;
	s28 =	smov.u32 s29;
	v50 =	vmov s1;
	v44 =	vld.idx.msk [tilespmem:v51+s3+$0x0], $0xffff;
	v51 =	vadd.s32 s1, v1;
	v46 =	vor.u32 v42, v41;
	[tilespmem:s31+$0xFFFFFFF0] =	vst v49  }
0x55: {  	v48 =	vmov s30;
	v42 =	vand.u32 $0x6, v50;
	s1 =	sadd.s32 $0x5780, s22;
	v41 =	vand.u32 $0x3FF8, v51;
	[tilespmem:s29+$0x0] =	vst v36;
	v36 =	vld.idx.msk [tilespmem:v52+s3+$0x0], $0xffff  }
0x56: {  	s30 =	sadd.s32 $0x2, s30;
	v49 =	vadd.s32 s26, v1;
	v41 =	vor.u32 v42, v41;
	v42 =	vld.idx.msk [tilespmem:v47+s3+$0x0], $0xffff;
	[tilespmem:s21+$0xFFFFFFD0] =	vst v53;
	v47 =	vmov s1  }
0x57: {  	v49 =	vand.u32 $0x1FF8, v49;
	v48 =	vand.u32 $0x6, v48  }
0x58: {  	v48 =	vor.u32 v48, v49;
	_ =	sdelay $0x2  }
0x59: {  	s0 =	sadd.s32 $0xC80, s26  }
0x5a: {  	[tilespmem:s24+$0x20] =	vst v37;
	s30 =	sadd.s32 $0xC81, s26;
	v63 =	vmov s0;
	v50 =	vadd.s32 s0, v1  }
0x5b: {  	[tilespmem:s24+$0xFFFFFFB0] =	vst v40;
	v55 =	vadd.s32 s30, v1;
	v53 =	vand.u32 $0x1FF8, v50;
	v49 =	vand.u32 $0x6, v63;
	v52 =	vld.idx.msk [tilespmem:v48+s3+$0x0], $0xffff  }
0x5c: {  	[tilespmem:s21+$0x40] =	vst v38;
	v54 =	vor.u32 v49, v53  }
0x5d: {  	v43 =	vld.idx.msk [tilespmem:v43+s3+$0x0], $0xffff;
	[tilespmem:s31+$0x60] =	vst v39  }
0x5e: {  	s10 =	sadd.s32 $0x1901, s25;
	v45 =	vld.idx.msk [tilespmem:v45+s3+$0x0], $0xffff;
	s30 =	sadd.s32 $0x100, s29;
	[tilespmem:s29+$0xFFFFFF90] =	vst v44  }
0x5f: {  	v56 =	vadd.s32 s1, v1;
	s11 =	sadd.s32 $0x1900, s26;
	v47 =	vand.u32 $0x6, v47;
	v57 =	vadd.s32 s10, v1;
	v59 =	vld.idx.msk [tilespmem:v46+s3+$0x0], $0xffff;
	[tilespmem:s30+$0x0] =	vst v36  }
0x60: {  	v58 =	vand.u32 $0x7FF8, v56;
	v60 =	vmov s11;
	v61 =	vadd.s32 s11, v1;
	s10 =	sadd.s32 $0x1901, s26;
	v38 =	vld.idx.msk [tilespmem:v55+s3+$0x0], $0xffff;
	[tilespmem:s30+$0xFFFFFF80] =	vst v52  }
0x61: {  	s1 =	sadd.s32 $0x3E80, s23;
	v46 =	vand.u32 $0x3FF8, v61;
	v37 =	vand.u32 $0x6, v60;
	[tilespmem:s29+$0x10] =	vst v42;
	v52 =	vadd.s32 s10, v1;
	v40 =	vld.idx.msk [tilespmem:v54+s3+$0x0], $0xffff  }
0x62: {  	v62 =	vmov s1;
	v63 =	vadd.s32 s1, v1;
	v37 =	vor.u32 v37, v46;
	v41 =	vld.idx.msk [tilespmem:v41+s3+$0x0], $0xffff;
	[tilespmem:s21+$0xFFFFFFE0] =	vst v43  }
0x63: {  	s11 =	sadd.s32 $0x2580, s25;
	v39 =	vor.u32 v47, v58;
	v34 =	vld.idx.msk [tilespmem:v34+s3+$0x0], $0xffff;
	v53 =	vand.u32 $0x7FF8, v63;
	v36 =	vand.u32 $0x6, v62;
	[tilespmem:s24+$0x30] =	vst v45  }
0x64: {  	v36 =	vor.u32 v36, v53;
	v55 =	vadd.s32 s11, v1;
	[tilespmem:s24+$0xFFFFFFC0] =	vst v59;
	v57 =	vld.idx.msk [tilespmem:v57+s3+$0x0], $0xffff;
	s10 =	sadd.s32 $0x2581, s25;
	v54 =	vmov s11  }
0x65: {  	v35 =	vld.idx.msk [tilespmem:v35+s3+$0x0], $0xffff;
	s1 =	sadd.s32 $0x2580, s26;
	v56 =	vand.u32 $0x3FF8, v55;
	[tilespmem:s30+$0x10] =	vst v38;
	v60 =	vadd.s32 s10, v1;
	v43 =	vand.u32 $0x6, v54  }
0x66: {  	v58 =	vmov s1;
	v59 =	vadd.s32 s1, v1;
	s11 =	sadd.s32 $0x2581, s26;
	v43 =	vor.u32 v43, v56;
	v62 =	vld.idx.msk [tilespmem:v52+s3+$0x0], $0xffff;
	[tilespmem:s30+$0xFFFFFF90] =	vst v40  }
0x67: {  	v45 =	vand.u32 $0x6, v58;
	v46 =	vand.u32 $0x3FF8, v59;
	[tilespmem:s29+$0xFFFFFFA0] =	vst v41;
	s29 =	sadd.s32 $0x3201, s23;
	v63 =	vadd.s32 s11, v1;
	v37 =	vld.idx.msk [tilespmem:v37+s3+$0x0], $0xffff  }
0x68: {  	v39 =	vld.idx.msk [tilespmem:v39+s3+$0x0], $0xffff;
	[tilespmem:s31+$0x70] =	vst v34;
	s31 =	sadd.s32 $0x3201, s25;
	v61 =	vor.u32 v45, v46;
	v48 =	vadd.s32 s29, v1;
	s29 =	sadd.s32 $0x3200, s26  }
0x69: {  	v55 =	vadd.s32 s31, v1;
	v36 =	vld.idx.msk [tilespmem:v36+s3+$0x0], $0xffff;
	v53 =	vmov s29;
	[tilespmem:s28+$0x20] =	vst v57;
	s10 =	sadd.s32 $0x3200, s25;
	s11 =	sadd.s32 $0x4B01, s22  }
0x6a: {  	[tilespmem:s21+$0x50] =	vst v35;
	v49 =	vmov s10;
	v50 =	vadd.s32 s10, v1;
	v51 =	vadd.s32 s11, v1;
	v40 =	vld.idx.msk [tilespmem:v60+s3+$0x0], $0xffff  }
0x6b: {  	v54 =	vadd.s32 s29, v1;
	s10 =	sadd.s32 $0x4B00, s23;
	v46 =	vand.u32 $0x7FF8, v50;
	v45 =	vand.u32 $0x6, v49;
	v43 =	vld.idx.msk [tilespmem:v43+s3+$0x0], $0xffff;
	[tilespmem:s30+$0x20] =	vst v62  }
0x6c: {  	v56 =	vmov s10;
	v57 =	vadd.s32 s10, v1;
	s11 =	sadd.s32 $0x3201, s26;
	v52 =	vor.u32 v45, v46;
	v35 =	vld.idx.msk [tilespmem:v63+s3+$0x0], $0xffff;
	[tilespmem:s30+$0xFFFFFFA0] =	vst v37  }
0x6d: {  	[tilespmem:s21+$0xFFFFFFF0] =	vst v39;
	v59 =	vadd.s32 s11, v1;
	v45 =	vand.u32 $0x7FF8, v54;
	v37 =	vand.u32 $0x6, v53;
	v38 =	vld.idx.msk [tilespmem:v61+s3+$0x0], $0xffff  }
0x6e: {  	v42 =	vld.idx.msk [tilespmem:v48+s3+$0x0], $0xffff;
	[tilespmem:s24+$0xFFFFFFD0] =	vst v36;
	v58 =	vand.u32 $0x5FF8, v57;
	v41 =	vand.u32 $0x6, v56;
	v37 =	vor.u32 v37, v45  }
0x6f: {  	s31 =	sadd.s32 $0x3E81, s23;
	s29 =	sadd.s32 $0x3E80, s25;
	v39 =	vor.u32 v41, v58;
	v34 =	vld.idx.msk [tilespmem:v51+s3+$0x0], $0xffff;
	[tilespmem:s28+$0x30] =	vst v40  }
0x70: {  	s11 =	sadd.s32 $0x3E81, s25;
	v60 =	vmov s29;
	v62 =	vadd.s32 s31, v1;
	v48 =	vld.idx.msk [tilespmem:v55+s3+$0x0], $0xffff;
	[tilespmem:s28+$0xFFFFFFB0] =	vst v43;
	v61 =	vadd.s32 s29, v1  }
0x71: {  	s10 =	sadd.s32 $0x3E80, s26;
	v41 =	vand.u32 $0x6, v60;
	v51 =	vadd.s32 s11, v1;
	v44 =	vld.idx.msk [tilespmem:v52+s3+$0x0], $0xffff;
	v43 =	vand.u32 $0x7FF8, v61;
	[tilespmem:s30+$0x30] =	vst v35  }
0x72: {  	v49 =	vmov s10;
	v50 =	vadd.s32 s10, v1;
	s29 =	sadd.s32 $0x3E81, s26;
	v63 =	vor.u32 v41, v43;
	v36 =	vld.idx.msk [tilespmem:v59+s3+$0x0], $0xffff;
	[tilespmem:s30+$0xFFFFFFB0] =	vst v38  }
0x73: {  	[tilespmem:s24+$0x40] =	vst v42;
	v54 =	vadd.s32 s29, v1;
	v43 =	vand.u32 $0x7FF8, v50;
	v38 =	vand.u32 $0x6, v49;
	v37 =	vld.idx.msk [tilespmem:v37+s3+$0x0], $0xffff  }
0x74: {  	s10 =	sadd.s32 $0x4B00, s25;
	s31 =	sadd.s32 $0x5781, s22;
	v53 =	vld.idx.msk [tilespmem:v39+s3+$0x0], $0xffff;
	[tilespmem:s21+$0x60] =	vst v34;
	v52 =	vor.u32 v38, v43  }
0x75: {  	v56 =	vmov s10;
	v57 =	vadd.s32 s10, v1;
	s11 =	sadd.s32 $0x4B01, s23;
	s22 =	sadd.s32 $0x4B00, s26;
	v55 =	vadd.s32 s31, v1;
	v42 =	vld.idx.msk [tilespmem:v62+s3+$0x0], $0xffff;
	[tilespmem:s28+$0x40] =	vst v48  }
0x76: {  	v58 =	vadd.s32 s11, v1;
	s29 =	sadd.s32 $0x4B01, s25;
	v61 =	vmov s22;
	v62 =	vadd.s32 s22, v1;
	v60 =	vld.idx.msk [tilespmem:v51+s3+$0x0], $0xffff;
	[tilespmem:s28+$0xFFFFFFC0] =	vst v44  }
0x77: {  	s31 =	sadd.s32 $0x5780, s23;
	v44 =	vand.u32 $0x5FF8, v57;
	v43 =	vand.u32 $0x6, v56;
	v40 =	vld.idx.msk [tilespmem:v63+s3+$0x0], $0xffff;
	v63 =	vadd.s32 s29, v1;
	[tilespmem:s30+$0x40] =	vst v36  }
0x78: {  	s10 =	sadd.s32 $0x4B01, s26;
	v48 =	vmov s31;
	v49 =	vadd.s32 s31, v1;
	v59 =	vor.u32 v43, v44;
	v34 =	vld.idx.msk [tilespmem:v54+s3+$0x0], $0xffff;
	[tilespmem:s30+$0xFFFFFFC0] =	vst v37  }
0x79: {  	[tilespmem:s24+$0xFFFFFFE0] =	vst v53;
	v51 =	vadd.s32 s10, v1;
	v44 =	vand.u32 $0x5FF8, v62;
	v37 =	vand.u32 $0x6, v61;
	v35 =	vld.idx.msk [tilespmem:v52+s3+$0x0], $0xffff  }
0x7a: {  	v39 =	vld.idx.msk [tilespmem:v55+s3+$0x0], $0xffff;
	v50 =	vand.u32 $0x7FF8, v49;
	[tilespmem:s24+$0x50] =	vst v42;
	v36 =	vand.u32 $0x6, v48;
	v37 =	vor.u32 v37, v44  }
0x7b: {  	s11 =	sadd.s32 $0x5780, s25;
	s22 =	sadd.s32 $0x5781, s23;
	v36 =	vor.u32 v36, v50;
	[tilespmem:s28+$0x50] =	vst v60;
	v52 =	vld.idx.msk [tilespmem:v58+s3+$0x0], $0xffff  }
0x7c: {  	s25 =	sadd.s32 $0x5781, s25;
	v53 =	vmov s11;
	v55 =	vadd.s32 s22, v1;
	v54 =	vadd.s32 s11, v1;
	[tilespmem:s28+$0xFFFFFFD0] =	vst v40;
	v43 =	vld.idx.msk [tilespmem:v63+s3+$0x0], $0xffff  }
0x7d: {  	s23 =	sadd.s32 $0x5780, s26;
	v44 =	vand.u32 $0x7FF8, v54;
	v40 =	vand.u32 $0x6, v53;
	v58 =	vadd.s32 s25, v1;
	v41 =	vld.idx.msk [tilespmem:v59+s3+$0x0], $0xffff;
	[tilespmem:s30+$0x50] =	vst v34  }
0x7e: {  	v56 =	vmov s23;
	v57 =	vadd.s32 s23, v1;
	s29 =	sadd.s32 $0x5781, s26;
	v40 =	vor.u32 v40, v44;
	v60 =	vld.idx.msk [tilespmem:v51+s3+$0x0], $0xffff;
	[tilespmem:s30+$0xFFFFFFD0] =	vst v35  }
0x7f: {  	[tilespmem:s21+$0x70] =	vst v39;
	v61 =	vadd.s32 s29, v1;
	v44 =	vand.u32 $0x7FF8, v57;
	v35 =	vand.u32 $0x6, v56;
	v37 =	vld.idx.msk [tilespmem:v37+s3+$0x0], $0xffff  }
0x80: {  	v36 =	vld.idx.msk [tilespmem:v36+s3+$0x0], $0xffff;
	[tilespmem:s24+$0x60] =	vst v52;
	v59 =	vor.u32 v35, v44  }
0x81: {  	[tilespmem:s28+$0x60] =	vst v43;
	v62 =	vld.idx.msk [tilespmem:v55+s3+$0x0], $0xffff  }
0x82: {  	[tilespmem:s28+$0xFFFFFFE0] =	vst v41;
	v63 =	vld.idx.msk [tilespmem:v58+s3+$0x0], $0xffff  }
0x83: {  	v40 =	vld.idx.msk [tilespmem:v40+s3+$0x0], $0xffff;
	[tilespmem:s30+$0x60] =	vst v60  }
0x84: {  	v35 =	vld.idx.msk [tilespmem:v61+s3+$0x0], $0xffff;
	[tilespmem:s30+$0xFFFFFFE0] =	vst v37  }
0x85: {  	[tilespmem:s24+$0xFFFFFFF0] =	vst v36;
	v34 =	vld.idx.msk [tilespmem:v59+s3+$0x0], $0xffff  }
0x86: {  	[tilespmem:s24+$0x70] =	vst v62  }
0x87: {  	[tilespmem:s28+$0x70] =	vst v63  }
0x88: {  	[tilespmem:s28+$0xFFFFFFF0] =	vst v40  }
0x89: {  	[tilespmem:s30+$0x70] =	vst v35  }
0x8a: {  	s31 =	simm.s32 $0xC800;
	[tilespmem:s30+$0xFFFFFFF0] =	vst v34;
	s30 =	simm.s32 $0x6400  }
0x8b: {  	[tilespmem:s31], [sflag:$0x1] =	stream.indirect.gather [hbm4b:s4+s9], $0x40, s30, s9, $0xb8;
	[tilespmem:$0x18C00] =	vst v63  }
0x8c: {  	p0 =	por $0x0, $0x0  }
0x8d: {  	[tilespmem:s13], [sflag:$0x1] =	stream.indirect.gather [hbm4b:s4+s9], $0x40, s12, s9, $0xb8;
	[tilespmem:$0x18C00] =	vst v63  }
0x8e: {  	s22 =	simm.s32 $0x0;
	s23 =	simm.s32 $0x0;
	s21 =	simm.s32 $0x0  }
0x8f: {  	[tilespmem:s15], [sflag:$0x1] =	stream.indirect.gather [hbm4b:s4+s9], $0x40, s14, s9, $0xb8;
	[tilespmem:$0x18C00] =	vst v63  }
.LBB2_4:
0x90: {  	s0 =	simm.s32 $0x1;
	s25 =	sshll.u32 s23, $0x1;
	_ =	swait.ge [sflag:s16], $0x2000  }
0x91: {  	p1 =	seq.s32 s23, $0x63;
	v34 =	vmov s21;
	s11 =	simm.s32 $0x1;
	s1 =	simm.s32 $0x2  }
0x92: {  	s24 =	simm.s32 $0x3;
	s26 =	simm.s32 $0x4;
	s10 =	simm.s32 $0x7;
	v34 =	vshrl.u32 v34, $0x3;
	v35 =	vmov s11  }
0x93: {  	s30 =	simm.s32 $0x5;
	s31 =	simm.s32 $0x6;
	s0 =	simm.s32 @!p0 $0x0;
	v36 =	vmov s1;
	v37 =	vmov s24;
	v38 =	vmov s26  }
0x94: {  	[sflag:s16] =	ssyncset.done $0x0;
	s11 =	sadd.s32 @!p1 $0x3, s25;
	v39 =	vmov s10;
	v40 =	vmov s30;
	v41 =	vmov s31;
	s0 =	sshll.u32 s0, $0xE  }
0x95: {  	s1 =	sshll.u32 @!p1 s11, $0xD;
	s10 =	sshll.u32 @!p1 s11, $0x7;
	v34 =	vshll.u32 v34, v2;
	v39 =	vshrl.u32 v39, $0x3;
	[sflag:s16] =	ssyncadd.s32 $0xFFFFE000;
	v35 =	vshrl.u32 v35, $0x3  }
0x96: {  	v36 =	vshrl.u32 v36, $0x3;
	v37 =	vshrl.u32 v37, $0x3;
	s28 =	sadd.s32 $0xC900, s0;
	s1 =	sand.u32 @!p1 $0x6000, s1;
	s10 =	sand.u32 @!p1 $0x3FFFFF80, s10;
	v39 =	vshll.u32 v39, v2  }
0x97: {  	v38 =	vshrl.u32 v38, $0x3;
	v62 =	vshrl.u32 v40, $0x3;
	s0 =	sadd.s32 @!p1 $0xC800, s1;
	s1 =	sadd.s32 @!p1 $0x6400, s10;
	s10 =	simm.s32 @!p1 $0x80;
	v39 =	vbroadcast v39, $0x0  }
0x98: {  	v41 =	vshrl.u32 v41, $0x3;
	v34 =	vbroadcast v34, $0x0;
	v35 =	vshll.u32 v35, v2;
	[tilespmem:s0], [sflag:$0x1] =	stream.indirect.gather @!p1 [hbm4b:s4+s10], $0x40, s1, s10, $0xb8;
	[tilespmem:$0x18C00] =	vst v63  }
0x99: {  	v59 =	vshll.u32 v36, v2;
	v49 =	vbroadcast v35, $0x0;
	v42 =	vld [tilespmem:s28+$0xC0];
	v43 =	vadd.s32 v30, v39  }
0x9a: {  	v60 =	vshll.u32 v37, v2;
	v55 =	vbroadcast v59, $0x0;
	v45 =	vadd.s32 v0, v34;
	v44 =	vld [tilespmem:s28+$0xFFFFFF00]  }
0x9b: {  	v61 =	vshll.u32 v38, v2;
	v36 =	vbroadcast v60, $0x0;
	v46 =	vld [tilespmem:s28+$0xFFFFFF40];
	v47 =	vadd.s32 v6, v49  }
0x9c: {  	v37 =	vshll.u32 v62, v2;
	v35 =	vbroadcast v61, $0x0;
	v48 =	vld [tilespmem:s28+$0xFFFFFF80];
	v50 =	vadd.s32 v10, v55  }
0x9d: {  	v56 =	vshll.u32 v41, v2;
	v38 =	vbroadcast v37, $0x0;
	v63 =	vld [tilespmem:s28+$0xFFFFFFC0];
	v51 =	vadd.s32 v14, v36  }
0x9e: {  	v37 =	vbroadcast v56, $0x0;
	v52 =	vld [tilespmem:s28+$0x0];
	v53 =	vadd.s32 v18, v35;
	[tilespmem:v43+s17+$0x0] =	vst.idx.msk $0xffff, v42  }
0x9f: {  	v58 =	vld [tilespmem:s28+$0x40];
	v59 =	vadd.s32 v22, v38;
	[tilespmem:v45+s17+$0x0] =	vst.idx.msk $0xffff, v44  }
0xa0: {  	v60 =	vadd.s32 v26, v37;
	[tilespmem:v47+s17+$0x0] =	vst.idx.msk $0xffff, v46;
	v45 =	vld [tilespmem:s28+$0x80]  }
0xa1: {  	v57 =	vadd.s32 v31, v39;
	[tilespmem:v50+s17+$0x0] =	vst.idx.msk $0xffff, v48;
	v41 =	vld [tilespmem:s28+$0xD0]  }
0xa2: {  	v61 =	vadd.s32 v7, v49;
	[tilespmem:v51+s17+$0x0] =	vst.idx.msk $0xffff, v63;
	v47 =	vld [tilespmem:s28+$0xFFFFFF50]  }
0xa3: {  	v63 =	vadd.s32 v11, v55;
	[tilespmem:v53+s17+$0x0] =	vst.idx.msk $0xffff, v52;
	v62 =	vld [tilespmem:s28+$0xFFFFFF90]  }
0xa4: {  	v56 =	vadd.s32 v15, v36;
	[tilespmem:v59+s17+$0x0] =	vst.idx.msk $0xffff, v58;
	v51 =	vld [tilespmem:s28+$0xFFFFFFD0]  }
0xa5: {  	v59 =	vadd.s32 v19, v35;
	v58 =	vld [tilespmem:s28+$0x10];
	[tilespmem:v60+s17+$0x0] =	vst.idx.msk $0xffff, v45  }
0xa6: {  	v46 =	vadd.s32 v23, v38;
	v45 =	vld [tilespmem:s28+$0x50];
	[tilespmem:v57+s17+$0x0] =	vst.idx.msk $0xffff, v41  }
0xa7: {  	v57 =	vadd.s32 v32, v39;
	[tilespmem:v61+s17+$0x0] =	vst.idx.msk $0xffff, v47;
	v41 =	vld [tilespmem:s28+$0xE0]  }
0xa8: {  	v60 =	vadd.s32 v27, v37;
	[tilespmem:v63+s17+$0x0] =	vst.idx.msk $0xffff, v62;
	v63 =	vld [tilespmem:s28+$0x90]  }
0xa9: {  	v61 =	vld [tilespmem:s28+$0xFFFFFF10];
	v62 =	vadd.s32 v3, v34;
	[tilespmem:v56+s17+$0x0] =	vst.idx.msk $0xffff, v51  }
0xaa: {  	v52 =	vadd.s32 v8, v49;
	[tilespmem:v59+s17+$0x0] =	vst.idx.msk $0xffff, v58;
	v51 =	vld [tilespmem:s28+$0xFFFFFF60]  }
0xab: {  	v59 =	vadd.s32 v16, v36;
	v58 =	vld [tilespmem:s28+$0xFFFFFFE0];
	[tilespmem:v46+s17+$0x0] =	vst.idx.msk $0xffff, v45  }
0xac: {  	v56 =	vld [tilespmem:s28+$0xFFFFFFA0];
	[tilespmem:v57+s17+$0x0] =	vst.idx.msk $0xffff, v41;
	v57 =	vadd.s32 v12, v55  }
0xad: {  	v39 =	vadd.s32 v33, v39;
	[tilespmem:v60+s17+$0x0] =	vst.idx.msk $0xffff, v63;
	v53 =	vld [tilespmem:s28+$0xF0]  }
0xae: {  	s26 =	simm.s32 $0xA;
	[tilespmem:v62+s17+$0x0] =	vst.idx.msk $0xffff, v61;
	v60 =	vld [tilespmem:s28+$0x20];
	v61 =	vadd.s32 v20, v35  }
0xaf: {  	s24 =	simm.s32 $0x9;
	v54 =	vmov s26;
	s10 =	simm.s32 $0x8;
	v42 =	vadd.s32 v24, v38;
	[tilespmem:v52+s17+$0x0] =	vst.idx.msk $0xffff, v51;
	v41 =	vld [tilespmem:s28+$0x60]  }
0xb0: {  	s29 =	simm.s32 $0x10;
	s30 =	simm.s32 $0xB;
	s31 =	sshll.u32 s23, $0xE;
	v50 =	vmov s24;
	v44 =	vadd.s32 v28, v37;
	v63 =	vmov s10;
	v43 =	vld [tilespmem:s28+$0xA0];
	[tilespmem:v59+s17+$0x0] =	vst.idx.msk $0xffff, v58  }
0xb1: {  	s11 =	sand.u32 $0x3, s22;
	s26 =	simm.s32 $0xD;
	v47 =	vadd.s32 v4, v34;
	v45 =	vmov s30;
	s10 =	simm.s32 $0xC;
	v40 =	vshrl.u32 v63, $0x3;
	v46 =	vld [tilespmem:s28+$0xFFFFFF20];
	[tilespmem:v57+s17+$0x0] =	vst.idx.msk $0xffff, v56  }
0xb2: {  	s1 =	sshll.u32 s11, $0xD;
	s30 =	sand.u32 $0x4000, s31;
	s31 =	simm.s32 $0xE;
	v48 =	vmov s10;
	v55 =	vadd.s32 v13, v55;
	v51 =	vld [tilespmem:s28+$0xFFFFFF70];
	[tilespmem:v39+s17+$0x0] =	vst.idx.msk $0xffff, v53;
	v53 =	vadd.s32 v9, v49  }
0xb3: {  	s24 =	sadd.s32 $0xE9F0, s1;
	s1 =	simm.s32 $0xF;
	[tilespmem:v61+s17+$0x0] =	vst.idx.msk $0xffff, v60;
	v39 =	vmov s26;
	s26 =	sadd.s32 $0xC800, s30;
	v49 =	vshll.u32 v40, v2;
	v40 =	vmov s31;
	v52 =	vld [tilespmem:s28+$0xFFFFFFB0]  }
.LBB2_5:
0xb4: {  	p1 =	slt.u32 s29, $0x78;
	v50 =	vshrl.u32 v50, $0x3;
	v56 =	vmov s1;
	v57 =	vld [tilespmem:s28+$0xFFFFFFF0];
	v36 =	vadd.s32 v17, v36;
	[tilespmem:v42+s17+$0x0] =	vst.idx.msk $0xffff, v41  }
0xb5: {  	v41 =	vshrl.u32 v54, $0x3;
	v35 =	vadd.s32 v21, v35;
	v42 =	vshrl.u32 v56, $0x3;
	v54 =	vld [tilespmem:s28+$0x30];
	[tilespmem:v44+s17+$0x0] =	vst.idx.msk $0xffff, v43  }
0xb6: {  	v38 =	vadd.s32 v25, v38;
	v43 =	vshrl.u32 v45, $0x3;
	v42 =	vshll.u32 v42, v2;
	[tilespmem:v47+s17+$0x0] =	vst.idx.msk $0xffff, v46;
	v44 =	vld [tilespmem:s28+$0x70]  }
0xb7: {  	v37 =	vadd.s32 v29, v37;
	v45 =	vshrl.u32 v48, $0x3;
	v42 =	vbroadcast v42, $0x0;
	[tilespmem:v53+s17+$0x0] =	vst.idx.msk $0xffff, v51;
	v46 =	vld [tilespmem:s28+$0xB0]  }
0xb8: {  	v47 =	vshll.u32 v50, v2;
	v50 =	vadd.s32 v5, v34;
	v34 =	vbroadcast v49, $0x0;
	v48 =	vld [tilespmem:s28+$0xFFFFFF30];
	[tilespmem:v55+s17+$0x0] =	vst.idx.msk $0xffff, v52;
	s28 =	sadd.s32 $0x200, s28  }
0xb9: {  	v41 =	vshll.u32 v41, v2;
	v49 =	vbroadcast v47, $0x0;
	v47 =	vld [tilespmem:s28+$0xC0];
	v51 =	vadd.s32 v30, v42;
	[tilespmem:v36+s17+$0x0] =	vst.idx.msk $0xffff, v57  }
0xba: {  	v53 =	vadd.s32 v0, v34;
	v55 =	vbroadcast v41, $0x0;
	v36 =	vshll.u32 v43, v2;
	v52 =	vld [tilespmem:s28+$0xFFFFFF00];
	[tilespmem:v35+s17+$0x0] =	vst.idx.msk $0xffff, v54  }
0xbb: {  	v43 =	vadd.s32 v6, v49;
	v36 =	vbroadcast v36, $0x0;
	v35 =	vshll.u32 v45, v2;
	v41 =	vld [tilespmem:s28+$0xFFFFFF40];
	[tilespmem:v38+s17+$0x0] =	vst.idx.msk $0xffff, v44  }
0xbc: {  	v45 =	vadd.s32 v10, v55;
	v35 =	vbroadcast v35, $0x0;
	v38 =	vshrl.u32 v39, $0x3;
	v44 =	vld [tilespmem:s28+$0xFFFFFF80];
	[tilespmem:v37+s17+$0x0] =	vst.idx.msk $0xffff, v46  }
0xbd: {  	v40 =	vshrl.u32 v40, $0x3;
	v46 =	vadd.s32 v14, v36;
	v37 =	vshll.u32 v38, v2;
	v39 =	vld [tilespmem:s28+$0xFFFFFFC0];
	[tilespmem:v50+s17+$0x0] =	vst.idx.msk $0xffff, v48  }
0xbe: {  	v50 =	vadd.s32 v18, v35;
	v38 =	vbroadcast v37, $0x0;
	v37 =	vshll.u32 v40, v2;
	v48 =	vld [tilespmem:s28+$0x0];
	[tilespmem:v51+s17+$0x0] =	vst.idx.msk $0xffff, v47  }
0xbf: {  	v37 =	vbroadcast v37, $0x0;
	v47 =	vadd.s32 v31, v42;
	[tilespmem:v53+s17+$0x0] =	vst.idx.msk $0xffff, v52;
	v40 =	vld [tilespmem:s28+$0xD0]  }
0xc0: {  	[tilespmem:v43+s17+$0x0] =	vst.idx.msk $0xffff, v41;
	v41 =	vld [tilespmem:s28+$0x40];
	v43 =	vadd.s32 v22, v38  }
0xc1: {  	[tilespmem:v45+s17+$0x0] =	vst.idx.msk $0xffff, v44;
	v44 =	vld [tilespmem:s28+$0x80];
	v45 =	vadd.s32 v26, v37  }
0xc2: {  	v52 =	vadd.s32 v7, v49;
	v51 =	vld [tilespmem:s28+$0xFFFFFF50];
	[tilespmem:v46+s17+$0x0] =	vst.idx.msk $0xffff, v39  }
0xc3: {  	v46 =	vadd.s32 v11, v55;
	v39 =	vld [tilespmem:s28+$0xFFFFFF90];
	[tilespmem:v50+s17+$0x0] =	vst.idx.msk $0xffff, v48  }
0xc4: {  	v50 =	vadd.s32 v15, v36;
	v48 =	vld [tilespmem:s28+$0xFFFFFFD0];
	[tilespmem:v47+s17+$0x0] =	vst.idx.msk $0xffff, v40  }
0xc5: {  	[tilespmem:v43+s17+$0x0] =	vst.idx.msk $0xffff, v41;
	v40 =	vld [tilespmem:s28+$0xE0];
	v41 =	vadd.s32 v32, v42  }
0xc6: {  	v47 =	vadd.s32 v19, v35;
	v43 =	vld [tilespmem:s28+$0x10];
	[tilespmem:v45+s17+$0x0] =	vst.idx.msk $0xffff, v44  }
0xc7: {  	v45 =	vadd.s32 v23, v38;
	[tilespmem:v52+s17+$0x0] =	vst.idx.msk $0xffff, v51;
	v44 =	vld [tilespmem:s28+$0x50]  }
0xc8: {  	[tilespmem:v46+s17+$0x0] =	vst.idx.msk $0xffff, v39;
	v39 =	vld [tilespmem:s28+$0x90];
	v46 =	vadd.s32 v27, v37  }
0xc9: {  	v52 =	vadd.s32 v3, v34;
	v51 =	vld [tilespmem:s28+$0xFFFFFF10];
	[tilespmem:v50+s17+$0x0] =	vst.idx.msk $0xffff, v48  }
0xca: {  	v50 =	vadd.s32 v8, v49;
	v48 =	vld [tilespmem:s28+$0xFFFFFF60];
	[tilespmem:v41+s17+$0x0] =	vst.idx.msk $0xffff, v40  }
0xcb: {  	[tilespmem:v47+s17+$0x0] =	vst.idx.msk $0xffff, v43;
	v40 =	vld [tilespmem:s28+$0xF0];
	v47 =	vadd.s32 v33, v42  }
0xcc: {  	v56 =	vadd.s32 v12, v55;
	v53 =	vld [tilespmem:s28+$0xFFFFFFA0];
	[tilespmem:v45+s17+$0x0] =	vst.idx.msk $0xffff, v44  }
0xcd: {  	v58 =	vadd.s32 v16, v36;
	v57 =	vld [tilespmem:s28+$0xFFFFFFE0];
	[tilespmem:v46+s17+$0x0] =	vst.idx.msk $0xffff, v39  }
0xce: {  	v60 =	vadd.s32 v20, v35;
	[tilespmem:v52+s17+$0x0] =	vst.idx.msk $0xffff, v51;
	v59 =	vld [tilespmem:s28+$0x20]  }
.Ltmp1:
0xcf: {  	s0 =	sadd.s32 $0x1, s29;
	v42 =	vadd.s32 v24, v38;
	v39 =	vmov s29;
	[tilespmem:v50+s17+$0x0] =	vst.idx.msk $0xffff, v48;
	v41 =	vld [tilespmem:s28+$0x60];
	(pc) =	sbr.rel @p1 .LBB2_5-.Ltmp1, $4  }
0xd0: {  	s1 =	sadd.s32 $0x3, s29;
	v44 =	vadd.s32 v28, v37;
	v52 =	vshrl.u32 v39, $0x3;
	v50 =	vmov s0;
	s0 =	sadd.s32 $0x2, s29;
	v43 =	vld [tilespmem:s28+$0xA0];
	[tilespmem:v47+s17+$0x0] =	vst.idx.msk $0xffff, v40  }
0xd1: {  	v45 =	vmov s1;
	s1 =	sadd.s32 $0x5, s29;
	v54 =	vmov s0;
	s0 =	sadd.s32 $0x4, s29;
	v47 =	vadd.s32 v4, v34;
	v46 =	vld [tilespmem:s28+$0xFFFFFF20];
	[tilespmem:v56+s17+$0x0] =	vst.idx.msk $0xffff, v53  }
0xd2: {  	v39 =	vmov s1;
	v48 =	vmov s0;
	s0 =	sadd.s32 $0x6, s29;
	v53 =	vadd.s32 v9, v49;
	v51 =	vld [tilespmem:s28+$0xFFFFFF70];
	[tilespmem:v58+s17+$0x0] =	vst.idx.msk $0xffff, v57  }
0xd3: {  	v55 =	vadd.s32 v13, v55;
	s1 =	sadd.s32 $0x7, s29;
	v49 =	vshll.u32 v52, v2;
	s29 =	sadd.s32 $0x8, s29;
	v40 =	vmov s0;
	v52 =	vld [tilespmem:s28+$0xFFFFFFB0];
	[tilespmem:v60+s17+$0x0] =	vst.idx.msk $0xffff, v59  }
0xd4: {  	_ =	sdelay $0x2  }
0xd5: {  	v50 =	vshrl.u32 v50, $0x3;
	v56 =	vmov s1  }
0xd6: {  	v57 =	vld [tilespmem:s28+$0xFFFFFFF0];
	v36 =	vadd.s32 v17, v36;
	[tilespmem:v42+s17+$0x0] =	vst.idx.msk $0xffff, v41;
	v60 =	vshrl.u32 v54, $0x3;
	v35 =	vadd.s32 v21, v35  }
0xd7: {  	v62 =	vld [tilespmem:s28+$0x30];
	v63 =	vshrl.u32 v45, $0x3;
	v38 =	vadd.s32 v25, v38;
	v45 =	vshrl.u32 v48, $0x3;
	[tilespmem:v44+s17+$0x0] =	vst.idx.msk $0xffff, v43  }
0xd8: {  	v37 =	vadd.s32 v29, v37;
	v34 =	vadd.s32 v5, v34;
	v39 =	vshrl.u32 v39, $0x3;
	v44 =	vld [tilespmem:s28+$0x70];
	[tilespmem:v47+s17+$0x0] =	vst.idx.msk $0xffff, v46  }
0xd9: {  	v61 =	vshrl.u32 v56, $0x3;
	v41 =	vshll.u32 v60, v2;
	v46 =	vld [tilespmem:s28+$0xB0];
	v47 =	vbroadcast v49, $0x0;
	[tilespmem:v53+s17+$0x0] =	vst.idx.msk $0xffff, v51  }
0xda: {  	v40 =	vshrl.u32 v40, $0x3;
	v42 =	vshll.u32 v61, v2;
	v41 =	vbroadcast v41, $0x0;
	v56 =	vld [tilespmem:s28+$0xFFFFFF30];
	s28 =	sadd.s32 $0x200, s28;
	[tilespmem:v55+s17+$0x0] =	vst.idx.msk $0xffff, v52  }
0xdb: {  	v42 =	vbroadcast v42, $0x0;
	v53 =	vshll.u32 v50, v2;
	v60 =	vld [tilespmem:s28+$0xFFFFFF00];
	v61 =	vadd.s32 v0, v47;
	[tilespmem:v36+s17+$0x0] =	vst.idx.msk $0xffff, v57  }
0xdc: {  	v43 =	vshll.u32 v63, v2;
	v48 =	vbroadcast v53, $0x0;
	v54 =	vld [tilespmem:s28+$0xFFFFFF80];
	v55 =	vadd.s32 v10, v41;
	[tilespmem:v35+s17+$0x0] =	vst.idx.msk $0xffff, v62  }
0xdd: {  	v45 =	vshll.u32 v45, v2;
	v43 =	vbroadcast v43, $0x0;
	v58 =	vld [tilespmem:s28+$0xC0];
	v59 =	vadd.s32 v30, v42;
	[tilespmem:v38+s17+$0x0] =	vst.idx.msk $0xffff, v44  }
0xde: {  	v40 =	vshll.u32 v40, v2;
	v45 =	vbroadcast v45, $0x0;
	v62 =	vld [tilespmem:s28+$0xFFFFFF40];
	v63 =	vadd.s32 v6, v48;
	[tilespmem:v37+s17+$0x0] =	vst.idx.msk $0xffff, v46  }
0xdf: {  	v39 =	vshll.u32 v39, v2;
	v36 =	vbroadcast v40, $0x0;
	v37 =	vld [tilespmem:s28+$0xFFFFFFC0];
	v46 =	vadd.s32 v14, v43;
	[tilespmem:v34+s17+$0x0] =	vst.idx.msk $0xffff, v56  }
0xe0: {  	v39 =	vbroadcast v39, $0x0;
	v49 =	vadd.s32 v18, v45;
	v34 =	vld [tilespmem:s28+$0x0];
	[tilespmem:v61+s17+$0x0] =	vst.idx.msk $0xffff, v60  }
0xe1: {  	[tilespmem:v55+s17+$0x0] =	vst.idx.msk $0xffff, v54;
	v60 =	vld [tilespmem:s28+$0x80];
	v61 =	vadd.s32 v26, v36  }
0xe2: {  	[tilespmem:v59+s17+$0x0] =	vst.idx.msk $0xffff, v58;
	v58 =	vld [tilespmem:s28+$0x40];
	v59 =	vadd.s32 v22, v39  }
0xe3: {  	v57 =	vadd.s32 v31, v42;
	v56 =	vld [tilespmem:s28+$0xD0];
	[tilespmem:v63+s17+$0x0] =	vst.idx.msk $0xffff, v62  }
0xe4: {  	v55 =	vadd.s32 v11, v41;
	v54 =	vld [tilespmem:s28+$0xFFFFFF90];
	[tilespmem:v46+s17+$0x0] =	vst.idx.msk $0xffff, v37  }
0xe5: {  	v63 =	vadd.s32 v7, v48;
	v62 =	vld [tilespmem:s28+$0xFFFFFF50];
	[tilespmem:v49+s17+$0x0] =	vst.idx.msk $0xffff, v34  }
0xe6: {  	v34 =	vld [tilespmem:s28+$0xFFFFFFD0];
	v49 =	vadd.s32 v15, v43;
	[tilespmem:v61+s17+$0x0] =	vst.idx.msk $0xffff, v60  }
0xe7: {  	v61 =	vadd.s32 v27, v36;
	[tilespmem:v59+s17+$0x0] =	vst.idx.msk $0xffff, v58;
	v60 =	vld [tilespmem:s28+$0x90]  }
0xe8: {  	[tilespmem:v57+s17+$0x0] =	vst.idx.msk $0xffff, v56;
	v56 =	vld [tilespmem:s28+$0x10];
	v57 =	vadd.s32 v19, v45  }
0xe9: {  	v40 =	vadd.s32 v32, v42;
	[tilespmem:v55+s17+$0x0] =	vst.idx.msk $0xffff, v54;
	v35 =	vld [tilespmem:s28+$0xE0]  }
0xea: {  	v59 =	vadd.s32 v23, v39;
	v58 =	vld [tilespmem:s28+$0x50];
	[tilespmem:v63+s17+$0x0] =	vst.idx.msk $0xffff, v62  }
0xeb: {  	v62 =	vld [tilespmem:s28+$0xFFFFFF10];
	v63 =	vadd.s32 v3, v47;
	[tilespmem:v49+s17+$0x0] =	vst.idx.msk $0xffff, v34  }
0xec: {  	v55 =	vadd.s32 v8, v48;
	v54 =	vld [tilespmem:s28+$0xFFFFFF60];
	[tilespmem:v61+s17+$0x0] =	vst.idx.msk $0xffff, v60  }
0xed: {  	[tilespmem:v57+s17+$0x0] =	vst.idx.msk $0xffff, v56;
	v56 =	vld [tilespmem:s28+$0xFFFFFFE0];
	v57 =	vadd.s32 v16, v43  }
0xee: {  	v50 =	vadd.s32 v12, v41;
	[tilespmem:v40+s17+$0x0] =	vst.idx.msk $0xffff, v35;
	v40 =	vadd.s32 v33, v42;
	v42 =	vld [tilespmem:s28+$0xFFFFFFA0]  }
0xef: {  	[tilespmem:v59+s17+$0x0] =	vst.idx.msk $0xffff, v58;
	v59 =	vadd.s32 v20, v45;
	v58 =	vld [tilespmem:s28+$0x20]  }
0xf0: {  	v61 =	vadd.s32 v24, v39;
	[tilespmem:v63+s17+$0x0] =	vst.idx.msk $0xffff, v62;
	v60 =	vld [tilespmem:s28+$0x60]  }
0xf1: {  	v62 =	vld [tilespmem:s28+$0xA0];
	v63 =	vadd.s32 v28, v36;
	[tilespmem:v55+s17+$0x0] =	vst.idx.msk $0xffff, v54  }
0xf2: {  	v35 =	vld [tilespmem:s28+$0xF0];
	[tilespmem:v57+s17+$0x0] =	vst.idx.msk $0xffff, v56  }
0xf3: {  	v53 =	vld [tilespmem:s28+$0xFFFFFF20];
	v54 =	vadd.s32 v4, v47;
	[tilespmem:v50+s17+$0x0] =	vst.idx.msk $0xffff, v42  }
0xf4: {  	v48 =	vadd.s32 v9, v48;
	v55 =	vld [tilespmem:s28+$0xFFFFFF70];
	[tilespmem:v59+s17+$0x0] =	vst.idx.msk $0xffff, v58  }
0xf5: {  	v43 =	vadd.s32 v17, v43;
	v57 =	vld [tilespmem:s28+$0xFFFFFFF0];
	[tilespmem:v61+s17+$0x0] =	vst.idx.msk $0xffff, v60  }
0xf6: {  	v41 =	vadd.s32 v13, v41;
	[tilespmem:v63+s17+$0x0] =	vst.idx.msk $0xffff, v62;
	v56 =	vld [tilespmem:s28+$0xFFFFFFB0]  }
0xf7: {  	v59 =	vadd.s32 v21, v45;
	[tilespmem:v40+s17+$0x0] =	vst.idx.msk $0xffff, v35;
	v58 =	vld [tilespmem:s28+$0x30]  }
0xf8: {  	v39 =	vadd.s32 v25, v39;
	[tilespmem:v54+s17+$0x0] =	vst.idx.msk $0xffff, v53;
	v60 =	vld [tilespmem:s28+$0x70]  }
0xf9: {  	v36 =	vadd.s32 v29, v36;
	v61 =	vld [tilespmem:s28+$0xB0];
	[tilespmem:v48+s17+$0x0] =	vst.idx.msk $0xffff, v55  }
0xfa: {  	v63 =	vadd.s32 v5, v47;
	v62 =	vld [tilespmem:s28+$0xFFFFFF30];
	[tilespmem:v43+s17+$0x0] =	vst.idx.msk $0xffff, v57  }
0xfb: {  	[tilespmem:v41+s17+$0x0] =	vst.idx.msk $0xffff, v56  }
0xfc: {  	[tilespmem:v59+s17+$0x0] =	vst.idx.msk $0xffff, v58  }
0xfd: {  	[tilespmem:v39+s17+$0x0] =	vst.idx.msk $0xffff, v60  }
0xfe: {  	p1 =	seq.s32 s23, $0x0;
	[tilespmem:v36+s17+$0x0] =	vst.idx.msk $0xffff, v61  }
0xff: {  	s11 =	sshll.u32 s23, $0x13;
	s0 =	simm.s32 @!p1 $0x2;
	[tilespmem:v63+s17+$0x0] =	vst.idx.msk $0xffff, v62  }
0x100: {  	s1 =	sor.u32 s6, s11;
	_ =	swait.ge @!p1 [sflag:s0], $0x2000  }
0x101: {  	s1 =	sshrl.u32 s1, $0x3;
	[sflag:s0] =	ssyncset.done @!p1 $0x0  }
0x102: {  	s10 =	simm.s32 $0x14800;
	[sflag:s0] =	ssyncadd.s32 @!p1 $0xFFFFE000;
	s0 =	sadd.s32 s2, s1  }
0x103: {  	[hbm4b:s0+s3] =	stream.linear.scatter [tilespmem:s10], [sflag:$0x2], $0x80, $0x38;
	[tilespmem:$0x18C00] =	vst v63  }
0x104: {  	s11 =	simm.s32 $0x14888;
	s10 =	sadd.s32 $0x10, s0  }
0x105: {  	[hbm4b:s10+s3] =	stream.linear.scatter [tilespmem:s11], [sflag:$0x2], $0x80, $0x38;
	[tilespmem:$0x18C00] =	vst v63  }
0x106: {  	s30 =	simm.s32 $0x14BB8;
	s10 =	simm.s32 $0x14910;
	s11 =	sadd.s32 $0x20, s0  }
0x107: {  	[hbm4b:s11+s3] =	stream.linear.scatter [tilespmem:s10], [sflag:$0x2], $0x80, $0x38;
	[tilespmem:$0x18C00] =	vst v63  }
0x108: {  	s28 =	simm.s32 $0x440;
	s10 =	simm.s32 $0x14998;
	s11 =	sadd.s32 $0x30, s0  }
0x109: {  	[hbm4b:s11+s3] =	stream.linear.scatter [tilespmem:s10], [sflag:$0x2], $0x80, $0x38;
	[tilespmem:$0x18C00] =	vst v63  }
0x10a: {  	s1 =	simm.s32 $0x2200;
	s10 =	simm.s32 $0x14A20;
	s11 =	sadd.s32 $0x40, s0  }
0x10b: {  	[hbm4b:s11+s3] =	stream.linear.scatter [tilespmem:s10], [sflag:$0x2], $0x80, $0x38;
	[tilespmem:$0x18C00] =	vst v63  }
0x10c: {  	s31 =	sadd.s32 $0x70, s0;
	s10 =	simm.s32 $0x14AA8;
	s11 =	sadd.s32 $0x50, s0  }
0x10d: {  	[hbm4b:s11+s3] =	stream.linear.scatter [tilespmem:s10], [sflag:$0x2], $0x80, $0x38;
	[tilespmem:$0x18C00] =	vst v63  }
0x10e: {  	s29 =	sadd.s32 $0x1000, s0;
	s10 =	simm.s32 $0x14B30;
	s11 =	sadd.s32 $0x60, s0  }
0x10f: {  	[hbm4b:s11+s3] =	stream.linear.scatter [tilespmem:s10], [sflag:$0x2], $0x80, $0x38;
	[tilespmem:$0x18C00] =	vst v63  }
.LBB2_7:
0x110: {  	[hbm4b:s31+s3] =	stream.linear.scatter [tilespmem:s30], [sflag:$0x2], $0x80, $0x38;
	[tilespmem:$0x18C00] =	vst v63  }
0x111: {  	s0 =	smov.u32 s28;
	s10 =	smov.u32 s1  }
0x112: {  	s28 =	sshra.s32 s10, $0x2;
	s10 =	sadd.s32 $0x1100, s1;
	s11 =	sadd.s32 $0x14800, s0  }
0x113: {  	[hbm4b:s29+s3] =	stream.linear.scatter [tilespmem:s11], [sflag:$0x2], $0x80, $0x38;
	[tilespmem:$0x18C00] =	vst v63  }
0x114: {  	p2 =	sne.s32 s1, $0x7700;
	s1 =	sadd.s32 $0x14888, s0;
	s11 =	sadd.s32 $0x10, s29  }
0x115: {  	[hbm4b:s11+s3] =	stream.linear.scatter [tilespmem:s1], [sflag:$0x2], $0x80, $0x38;
	[tilespmem:$0x18C00] =	vst v63  }
0x116: {  	s1 =	sadd.s32 $0x14910, s0;
	s11 =	sadd.s32 $0x20, s29  }
0x117: {  	[hbm4b:s11+s3] =	stream.linear.scatter [tilespmem:s1], [sflag:$0x2], $0x80, $0x38;
	[tilespmem:$0x18C00] =	vst v63  }
0x118: {  	s1 =	sadd.s32 $0x14998, s0;
	s11 =	sadd.s32 $0x30, s29  }
0x119: {  	[hbm4b:s11+s3] =	stream.linear.scatter [tilespmem:s1], [sflag:$0x2], $0x80, $0x38;
	[tilespmem:$0x18C00] =	vst v63  }
0x11a: {  	s1 =	sadd.s32 $0x14A20, s0;
	s11 =	sadd.s32 $0x40, s29  }
0x11b: {  	[hbm4b:s11+s3] =	stream.linear.scatter [tilespmem:s1], [sflag:$0x2], $0x80, $0x38;
	[tilespmem:$0x18C00] =	vst v63  }
.Ltmp2:
0x11c: {  	s1 =	sadd.s32 $0x14AA8, s0;
	s11 =	sadd.s32 $0x50, s29;
	(pc) =	sbr.rel @p2 .LBB2_7-.Ltmp2, $4  }
0x11d: {  	[hbm4b:s11+s3] =	stream.linear.scatter [tilespmem:s1], [sflag:$0x2], $0x80, $0x38;
	[tilespmem:$0x18C00] =	vst v63  }
0x11e: {  	s31 =	sadd.s32 $0x70, s29;
	s1 =	sadd.s32 $0x14B30, s0;
	s11 =	sadd.s32 $0x60, s29  }
0x11f: {  	[hbm4b:s11+s3] =	stream.linear.scatter [tilespmem:s1], [sflag:$0x2], $0x80, $0x38;
	[tilespmem:$0x18C00] =	vst v63  }
0x120: {  	s30 =	sadd.s32 $0x14BB8, s0;
	s29 =	sadd.s32 $0x1000, s29;
	s1 =	smov.u32 s10  }
0x121: {  	[hbm4b:s31+s3] =	stream.linear.scatter [tilespmem:s30], [sflag:$0x2], $0x80, $0x38;
	[tilespmem:$0x18C00] =	vst v63  }
0x122: {  	s0 =	sadd.s32 $0x14800, s28  }
0x123: {  	[hbm4b:s29+s3] =	stream.linear.scatter [tilespmem:s0], [sflag:$0x2], $0x80, $0x38;
	[tilespmem:$0x18C00] =	vst v63  }
0x124: {  	s31 =	sadd.s32 $0x14888, s28;
	s1 =	sadd.s32 $0x10, s29  }
0x125: {  	[hbm4b:s1+s3] =	stream.linear.scatter [tilespmem:s31], [sflag:$0x2], $0x80, $0x38;
	[tilespmem:$0x18C00] =	vst v63  }
0x126: {  	s10 =	sadd.s32 $0x14910, s28;
	s11 =	sadd.s32 $0x20, s29  }
0x127: {  	[hbm4b:s11+s3] =	stream.linear.scatter [tilespmem:s10], [sflag:$0x2], $0x80, $0x38;
	[tilespmem:$0x18C00] =	vst v63  }
0x128: {  	s30 =	sadd.s32 $0x14998, s28;
	s25 =	sor.u32 $0x1, s25;
	s31 =	sadd.s32 $0x30, s29  }
0x129: {  	[hbm4b:s31+s3] =	stream.linear.scatter [tilespmem:s30], [sflag:$0x2], $0x80, $0x38;
	[tilespmem:$0x18C00] =	vst v63  }
0x12a: {  	s1 =	simm.s32 $0x0;
	s10 =	sadd.s32 $0x14A20, s28;
	s11 =	sadd.s32 $0x40, s29  }
0x12b: {  	[hbm4b:s11+s3] =	stream.linear.scatter [tilespmem:s10], [sflag:$0x2], $0x80, $0x38;
	[tilespmem:$0x18C00] =	vst v63  }
0x12c: {  	p2 =	sgt.u32 s25, $0xC4;
	v34 =	vmov s1;
	s30 =	sadd.s32 $0x14AA8, s28;
	s31 =	sadd.s32 $0x50, s29  }
0x12d: {  	v34 =	vshrl.u32 v34, $0x3;
	[hbm4b:s31+s3] =	stream.linear.scatter [tilespmem:s30], [sflag:$0x2], $0x80, $0x38;
	[tilespmem:$0x18C00] =	vst v63  }
0x12e: {  	s1 =	sshll.u32 @!p2 s23, $0x8;
	v34 =	vshll.u32 v34, v2;
	s10 =	sadd.s32 $0x14B30, s28;
	s11 =	sadd.s32 $0x60, s29  }
0x12f: {  	v34 =	vbroadcast v34, $0x0;
	[hbm4b:s11+s3] =	stream.linear.scatter [tilespmem:s10], [sflag:$0x2], $0x80, $0x38;
	[tilespmem:$0x18C00] =	vst v63  }
0x130: {  	s30 =	sadd.s32 $0x14BB8, s28;
	s31 =	sadd.s32 $0x70, s29;
	s10 =	simm.s32 $0x1  }
0x131: {  	v45 =	vadd.s32 v0, v34;
	s28 =	simm.s32 $0x3;
	s29 =	simm.s32 $0x4;
	v35 =	vmov s10;
	s10 =	simm.s32 $0x7  }
0x132: {  	v37 =	vmov s28;
	v38 =	vmov s29;
	[hbm4b:s31+s3] =	stream.linear.scatter [tilespmem:s30], [sflag:$0x2], $0x80, $0x38;
	v39 =	vmov s10;
	[tilespmem:$0x18C00] =	vst v63  }
0x133: {  	s1 =	sand.u32 @!p2 $0x3FFFFF00, s1;
	s11 =	simm.s32 $0x2;
	v37 =	vshrl.u32 v37, $0x3;
	v38 =	vshrl.u32 v38, $0x3;
	_ =	swait.ge [sflag:s16], $0x2000;
	v39 =	vshrl.u32 v39, $0x3  }
0x134: {  	s0 =	sadd.s32 @!p2 $0x6600, s1;
	v36 =	vmov s11;
	v60 =	vshll.u32 v37, v2;
	[sflag:s16] =	ssyncset.done $0x0;
	v39 =	vshll.u32 v39, v2  }
0x135: {  	s1 =	simm.s32 @!p2 $0x80;
	v61 =	vshll.u32 v38, v2;
	s30 =	simm.s32 $0x5;
	v35 =	vshrl.u32 v35, $0x3;
	[sflag:s16] =	ssyncadd.s32 $0xFFFFE000;
	v39 =	vbroadcast v39, $0x0  }
0x136: {  	v36 =	vshrl.u32 v36, $0x3;
	v40 =	vmov s30;
	v35 =	vshll.u32 v35, v2;
	[tilespmem:s26], [sflag:$0x1] =	stream.indirect.gather @!p2 [hbm4b:s4+s1], $0x40, s0, s1, $0xb8;
	[tilespmem:$0x18C00] =	vst v63  }
0x137: {  	s31 =	simm.s32 $0x6;
	v59 =	vshll.u32 v36, v2;
	v46 =	vbroadcast v35, $0x0;
	v42 =	vld [tilespmem:s24+$0xFFFFFFD0];
	v43 =	vadd.s32 v30, v39  }
0x138: {  	v41 =	vmov s31;
	v36 =	vbroadcast v60, $0x0;
	v53 =	vbroadcast v59, $0x0;
	v44 =	vld [tilespmem:s24+$0xFFFFFE10]  }
0x139: {  	v35 =	vbroadcast v61, $0x0;
	v62 =	vshrl.u32 v40, $0x3;
	v48 =	vadd.s32 v6, v46;
	v47 =	vld [tilespmem:s24+$0xFFFFFE50]  }
0x13a: {  	v41 =	vshrl.u32 v41, $0x3;
	v37 =	vshll.u32 v62, v2;
	v50 =	vadd.s32 v10, v53;
	v49 =	vld [tilespmem:s24+$0xFFFFFE90]  }
0x13b: {  	v51 =	vadd.s32 v14, v36;
	v56 =	vshll.u32 v41, v2;
	v38 =	vbroadcast v37, $0x0;
	v63 =	vld [tilespmem:s24+$0xFFFFFED0]  }
0x13c: {  	v54 =	vadd.s32 v18, v35;
	v37 =	vbroadcast v56, $0x0;
	v52 =	vld [tilespmem:s24+$0xFFFFFF10];
	[tilespmem:v43+s18+$0x0] =	vst.idx.msk $0xffff, v42  }
0x13d: {  	v58 =	vld [tilespmem:s24+$0xFFFFFF50];
	v59 =	vadd.s32 v22, v38;
	[tilespmem:v45+s18+$0x0] =	vst.idx.msk $0xffff, v44  }
0x13e: {  	v60 =	vadd.s32 v26, v37;
	[tilespmem:v48+s18+$0x0] =	vst.idx.msk $0xffff, v47;
	v45 =	vld [tilespmem:s24+$0xFFFFFF90]  }
0x13f: {  	v57 =	vadd.s32 v31, v39;
	[tilespmem:v50+s18+$0x0] =	vst.idx.msk $0xffff, v49;
	v41 =	vld [tilespmem:s24+$0xFFFFFFE0]  }
0x140: {  	[tilespmem:v51+s18+$0x0] =	vst.idx.msk $0xffff, v63;
	v63 =	vadd.s32 v11, v53;
	v62 =	vld [tilespmem:s24+$0xFFFFFEA0]  }
0x141: {  	v61 =	vadd.s32 v7, v46;
	[tilespmem:v54+s18+$0x0] =	vst.idx.msk $0xffff, v52;
	v48 =	vld [tilespmem:s24+$0xFFFFFE60]  }
0x142: {  	[tilespmem:v59+s18+$0x0] =	vst.idx.msk $0xffff, v58  }
0x143: {  	v56 =	vadd.s32 v15, v36;
	v51 =	vld [tilespmem:s24+$0xFFFFFEE0];
	[tilespmem:v60+s18+$0x0] =	vst.idx.msk $0xffff, v45  }
0x144: {  	v58 =	vld [tilespmem:s24+$0xFFFFFF20];
	v59 =	vadd.s32 v19, v35;
	[tilespmem:v57+s18+$0x0] =	vst.idx.msk $0xffff, v41  }
0x145: {  	v60 =	vadd.s32 v27, v37;
	[tilespmem:v63+s18+$0x0] =	vst.idx.msk $0xffff, v62;
	v63 =	vld [tilespmem:s24+$0xFFFFFFA0]  }
0x146: {  	[tilespmem:v61+s18+$0x0] =	vst.idx.msk $0xffff, v48;
	v61 =	vld [tilespmem:s24+$0xFFFFFE20];
	v62 =	vadd.s32 v3, v34  }
0x147: {  	v57 =	vadd.s32 v32, v39;
	v41 =	vld [tilespmem:s24+$0xFFFFFFF0]  }
0x148: {  	v47 =	vadd.s32 v23, v38;
	v45 =	vld [tilespmem:s24+$0xFFFFFF60];
	[tilespmem:v56+s18+$0x0] =	vst.idx.msk $0xffff, v51  }
0x149: {  	v52 =	vadd.s32 v8, v46;
	[tilespmem:v59+s18+$0x0] =	vst.idx.msk $0xffff, v58;
	v51 =	vld [tilespmem:s24+$0xFFFFFE70]  }
0x14a: {  	v59 =	vadd.s32 v16, v36;
	v58 =	vld [tilespmem:s24+$0xFFFFFEF0];
	[tilespmem:v60+s18+$0x0] =	vst.idx.msk $0xffff, v63  }
0x14b: {  	[tilespmem:v62+s18+$0x0] =	vst.idx.msk $0xffff, v61;
	v60 =	vld [tilespmem:s24+$0xFFFFFF30];
	v61 =	vadd.s32 v20, v35  }
0x14c: {  	v56 =	vld [tilespmem:s24+$0xFFFFFEB0];
	[tilespmem:v57+s18+$0x0] =	vst.idx.msk $0xffff, v41;
	v57 =	vadd.s32 v12, v53  }
0x14d: {  	s11 =	simm.s32 $0x9;
	v39 =	vadd.s32 v33, v39;
	[tilespmem:v47+s18+$0x0] =	vst.idx.msk $0xffff, v45;
	v55 =	vld [tilespmem:s24+$0x0]  }
0x14e: {  	s10 =	simm.s32 $0x8;
	v42 =	vadd.s32 v24, v38;
	v54 =	vmov s11;
	[tilespmem:v52+s18+$0x0] =	vst.idx.msk $0xffff, v51;
	v41 =	vld [tilespmem:s24+$0xFFFFFF70]  }
0x14f: {  	s28 =	simm.s32 $0xB;
	s29 =	simm.s32 $0xC;
	v44 =	vadd.s32 v28, v37;
	v49 =	vadd.s32 v4, v34;
	v63 =	vmov s10;
	v43 =	vld [tilespmem:s24+$0xFFFFFFB0];
	[tilespmem:v59+s18+$0x0] =	vst.idx.msk $0xffff, v58  }
0x150: {  	s31 =	simm.s32 $0xE;
	v48 =	vmov s29;
	v45 =	vmov s28;
	v40 =	vshrl.u32 v63, $0x3;
	v47 =	vld [tilespmem:s24+$0xFFFFFE30];
	[tilespmem:v61+s18+$0x0] =	vst.idx.msk $0xffff, v60  }
0x151: {  	s30 =	simm.s32 $0xD;
	s26 =	simm.s32 $0xA;
	v52 =	vadd.s32 v9, v46;
	v50 =	vld [tilespmem:s24+$0xFFFFFE80];
	v46 =	vshll.u32 v40, v2;
	v40 =	vmov s31;
	[tilespmem:v57+s18+$0x0] =	vst.idx.msk $0xffff, v56  }
0x152: {  	s1 =	simm.s32 $0xF;
	v53 =	vadd.s32 v13, v53;
	[tilespmem:v39+s18+$0x0] =	vst.idx.msk $0xffff, v55;
	v55 =	vmov s26;
	v39 =	vmov s30;
	s26 =	simm.s32 $0x10;
	v51 =	vld [tilespmem:s24+$0xFFFFFEC0]  }
.LBB2_9:
0x153: {  	p2 =	slt.u32 s26, $0x78;
	v54 =	vshrl.u32 v54, $0x3;
	v56 =	vmov s1;
	v57 =	vld [tilespmem:s24+$0xFFFFFF00];
	v36 =	vadd.s32 v17, v36;
	[tilespmem:v42+s18+$0x0] =	vst.idx.msk $0xffff, v41  }
0x154: {  	v41 =	vshrl.u32 v55, $0x3;
	v35 =	vadd.s32 v21, v35;
	v42 =	vshrl.u32 v56, $0x3;
	v55 =	vld [tilespmem:s24+$0xFFFFFF40];
	[tilespmem:v44+s18+$0x0] =	vst.idx.msk $0xffff, v43  }
0x155: {  	v38 =	vadd.s32 v25, v38;
	v43 =	vshrl.u32 v45, $0x3;
	v42 =	vshll.u32 v42, v2;
	[tilespmem:v49+s18+$0x0] =	vst.idx.msk $0xffff, v47;
	v44 =	vld [tilespmem:s24+$0xFFFFFF80]  }
0x156: {  	v37 =	vadd.s32 v29, v37;
	v45 =	vshrl.u32 v48, $0x3;
	v42 =	vbroadcast v42, $0x0;
	[tilespmem:v52+s18+$0x0] =	vst.idx.msk $0xffff, v50;
	v47 =	vld [tilespmem:s24+$0xFFFFFFC0]  }
0x157: {  	v48 =	vshll.u32 v54, v2;
	v50 =	vadd.s32 v5, v34;
	v34 =	vbroadcast v46, $0x0;
	v49 =	vld [tilespmem:s24+$0xFFFFFE40];
	[tilespmem:v53+s18+$0x0] =	vst.idx.msk $0xffff, v51;
	s24 =	sadd.s32 $0x200, s24  }
0x158: {  	v41 =	vshll.u32 v41, v2;
	v46 =	vbroadcast v48, $0x0;
	v48 =	vld [tilespmem:s24+$0xFFFFFFD0];
	v51 =	vadd.s32 v30, v42;
	[tilespmem:v36+s18+$0x0] =	vst.idx.msk $0xffff, v57  }
0x159: {  	v56 =	vbroadcast v41, $0x0;
	v53 =	vadd.s32 v0, v34;
	v36 =	vshll.u32 v43, v2;
	v52 =	vld [tilespmem:s24+$0xFFFFFE10];
	[tilespmem:v35+s18+$0x0] =	vst.idx.msk $0xffff, v55  }
0x15a: {  	v43 =	vadd.s32 v6, v46;
	v36 =	vbroadcast v36, $0x0;
	v35 =	vshll.u32 v45, v2;
	v41 =	vld [tilespmem:s24+$0xFFFFFE50];
	[tilespmem:v38+s18+$0x0] =	vst.idx.msk $0xffff, v44  }
0x15b: {  	v45 =	vadd.s32 v10, v56;
	v35 =	vbroadcast v35, $0x0;
	v38 =	vshrl.u32 v39, $0x3;
	v44 =	vld [tilespmem:s24+$0xFFFFFE90];
	[tilespmem:v37+s18+$0x0] =	vst.idx.msk $0xffff, v47  }
0x15c: {  	v40 =	vshrl.u32 v40, $0x3;
	v47 =	vadd.s32 v14, v36;
	v37 =	vshll.u32 v38, v2;
	v39 =	vld [tilespmem:s24+$0xFFFFFED0];
	[tilespmem:v50+s18+$0x0] =	vst.idx.msk $0xffff, v49  }
0x15d: {  	v50 =	vadd.s32 v18, v35;
	v38 =	vbroadcast v37, $0x0;
	v37 =	vshll.u32 v40, v2;
	v49 =	vld [tilespmem:s24+$0xFFFFFF10];
	[tilespmem:v51+s18+$0x0] =	vst.idx.msk $0xffff, v48  }
0x15e: {  	v37 =	vbroadcast v37, $0x0;
	v48 =	vadd.s32 v31, v42;
	[tilespmem:v53+s18+$0x0] =	vst.idx.msk $0xffff, v52;
	v40 =	vld [tilespmem:s24+$0xFFFFFFE0]  }
0x15f: {  	[tilespmem:v43+s18+$0x0] =	vst.idx.msk $0xffff, v41;
	v41 =	vld [tilespmem:s24+$0xFFFFFF50];
	v43 =	vadd.s32 v22, v38  }
0x160: {  	[tilespmem:v45+s18+$0x0] =	vst.idx.msk $0xffff, v44;
	v44 =	vld [tilespmem:s24+$0xFFFFFF90];
	v45 =	vadd.s32 v26, v37  }
0x161: {  	v52 =	vadd.s32 v7, v46;
	v51 =	vld [tilespmem:s24+$0xFFFFFE60];
	[tilespmem:v47+s18+$0x0] =	vst.idx.msk $0xffff, v39  }
0x162: {  	v47 =	vadd.s32 v11, v56;
	v39 =	vld [tilespmem:s24+$0xFFFFFEA0];
	[tilespmem:v50+s18+$0x0] =	vst.idx.msk $0xffff, v49  }
0x163: {  	v50 =	vadd.s32 v15, v36;
	v49 =	vld [tilespmem:s24+$0xFFFFFEE0];
	[tilespmem:v48+s18+$0x0] =	vst.idx.msk $0xffff, v40  }
0x164: {  	[tilespmem:v43+s18+$0x0] =	vst.idx.msk $0xffff, v41;
	v40 =	vld [tilespmem:s24+$0xFFFFFFF0];
	v41 =	vadd.s32 v32, v42  }
0x165: {  	v48 =	vadd.s32 v19, v35;
	v43 =	vld [tilespmem:s24+$0xFFFFFF20];
	[tilespmem:v45+s18+$0x0] =	vst.idx.msk $0xffff, v44  }
0x166: {  	v45 =	vadd.s32 v23, v38;
	[tilespmem:v52+s18+$0x0] =	vst.idx.msk $0xffff, v51;
	v44 =	vld [tilespmem:s24+$0xFFFFFF60]  }
0x167: {  	[tilespmem:v47+s18+$0x0] =	vst.idx.msk $0xffff, v39;
	v39 =	vld [tilespmem:s24+$0xFFFFFFA0];
	v47 =	vadd.s32 v27, v37  }
0x168: {  	v52 =	vadd.s32 v3, v34;
	v51 =	vld [tilespmem:s24+$0xFFFFFE20];
	[tilespmem:v50+s18+$0x0] =	vst.idx.msk $0xffff, v49  }
0x169: {  	v50 =	vadd.s32 v8, v46;
	v49 =	vld [tilespmem:s24+$0xFFFFFE70];
	[tilespmem:v41+s18+$0x0] =	vst.idx.msk $0xffff, v40  }
0x16a: {  	[tilespmem:v48+s18+$0x0] =	vst.idx.msk $0xffff, v43;
	v40 =	vld [tilespmem:s24+$0x0];
	v48 =	vadd.s32 v33, v42  }
0x16b: {  	v57 =	vadd.s32 v12, v56;
	v53 =	vld [tilespmem:s24+$0xFFFFFEB0];
	[tilespmem:v45+s18+$0x0] =	vst.idx.msk $0xffff, v44  }
0x16c: {  	v59 =	vadd.s32 v16, v36;
	v58 =	vld [tilespmem:s24+$0xFFFFFEF0];
	[tilespmem:v47+s18+$0x0] =	vst.idx.msk $0xffff, v39  }
0x16d: {  	v61 =	vadd.s32 v20, v35;
	[tilespmem:v52+s18+$0x0] =	vst.idx.msk $0xffff, v51;
	v60 =	vld [tilespmem:s24+$0xFFFFFF30]  }
.Ltmp3:
0x16e: {  	s0 =	sadd.s32 $0x1, s26;
	v42 =	vadd.s32 v24, v38;
	v39 =	vmov s26;
	[tilespmem:v50+s18+$0x0] =	vst.idx.msk $0xffff, v49;
	v41 =	vld [tilespmem:s24+$0xFFFFFF70];
	(pc) =	sbr.rel @p2 .LBB2_9-.Ltmp3, $4  }
0x16f: {  	s1 =	sadd.s32 $0x3, s26;
	v54 =	vmov s0;
	s0 =	sadd.s32 $0x2, s26;
	v44 =	vadd.s32 v28, v37;
	v51 =	vshrl.u32 v39, $0x3;
	v43 =	vld [tilespmem:s24+$0xFFFFFFB0];
	[tilespmem:v48+s18+$0x0] =	vst.idx.msk $0xffff, v40  }
0x170: {  	v55 =	vmov s0;
	s0 =	sadd.s32 $0x4, s26;
	v45 =	vmov s1;
	s1 =	sadd.s32 $0x5, s26;
	v49 =	vadd.s32 v4, v34;
	v47 =	vld [tilespmem:s24+$0xFFFFFE30];
	[tilespmem:v57+s18+$0x0] =	vst.idx.msk $0xffff, v53  }
0x171: {  	v39 =	vmov s1;
	v52 =	vadd.s32 v9, v46;
	v48 =	vmov s0;
	s0 =	sadd.s32 $0x6, s26;
	v50 =	vld [tilespmem:s24+$0xFFFFFE80];
	[tilespmem:v59+s18+$0x0] =	vst.idx.msk $0xffff, v58  }
0x172: {  	s1 =	sadd.s32 $0x7, s26;
	v46 =	vshll.u32 v51, v2;
	s26 =	sadd.s32 $0x8, s26;
	v40 =	vmov s0;
	v53 =	vadd.s32 v13, v56;
	v51 =	vld [tilespmem:s24+$0xFFFFFEC0];
	[tilespmem:v61+s18+$0x0] =	vst.idx.msk $0xffff, v60  }
0x173: {  	_ =	sdelay $0x2  }
0x174: {  	v54 =	vshrl.u32 v54, $0x3;
	v56 =	vmov s1  }
0x175: {  	v57 =	vld [tilespmem:s24+$0xFFFFFF00];
	v36 =	vadd.s32 v17, v36;
	[tilespmem:v42+s18+$0x0] =	vst.idx.msk $0xffff, v41;
	v60 =	vshrl.u32 v55, $0x3;
	v35 =	vadd.s32 v21, v35  }
0x176: {  	v62 =	vld [tilespmem:s24+$0xFFFFFF40];
	v63 =	vshrl.u32 v45, $0x3;
	v38 =	vadd.s32 v25, v38;
	v45 =	vshrl.u32 v48, $0x3;
	[tilespmem:v44+s18+$0x0] =	vst.idx.msk $0xffff, v43  }
0x177: {  	v37 =	vadd.s32 v29, v37;
	v46 =	vbroadcast v46, $0x0;
	v34 =	vadd.s32 v5, v34;
	v44 =	vld [tilespmem:s24+$0xFFFFFF80];
	[tilespmem:v49+s18+$0x0] =	vst.idx.msk $0xffff, v47  }
0x178: {  	s11 =	sadd.s32 $0x200, s24;
	v39 =	vshrl.u32 v39, $0x3;
	v61 =	vshrl.u32 v56, $0x3;
	v41 =	vshll.u32 v60, v2;
	v47 =	vld [tilespmem:s24+$0xFFFFFFC0];
	[tilespmem:v52+s18+$0x0] =	vst.idx.msk $0xffff, v50  }
0x179: {  	v60 =	vld [tilespmem:s11+$0xFFFFFE10];
	v42 =	vshll.u32 v61, v2;
	v61 =	vadd.s32 v0, v46;
	v41 =	vbroadcast v41, $0x0;
	[tilespmem:v53+s18+$0x0] =	vst.idx.msk $0xffff, v51  }
0x17a: {  	v40 =	vshrl.u32 v40, $0x3;
	v56 =	vshll.u32 v54, v2;
	v42 =	vbroadcast v42, $0x0;
	v49 =	vld [tilespmem:s24+$0xFFFFFE40];
	[tilespmem:v36+s18+$0x0] =	vst.idx.msk $0xffff, v57  }
0x17b: {  	v43 =	vshll.u32 v63, v2;
	v54 =	vld [tilespmem:s11+$0xFFFFFE90];
	v48 =	vbroadcast v56, $0x0;
	v55 =	vadd.s32 v10, v41;
	[tilespmem:v35+s18+$0x0] =	vst.idx.msk $0xffff, v62  }
0x17c: {  	v58 =	vld [tilespmem:s11+$0xFFFFFFD0];
	v40 =	vshll.u32 v40, v2;
	v43 =	vbroadcast v43, $0x0;
	v59 =	vadd.s32 v30, v42;
	[tilespmem:v38+s18+$0x0] =	vst.idx.msk $0xffff, v44  }
0x17d: {  	v45 =	vshll.u32 v45, v2;
	v63 =	vadd.s32 v6, v48;
	v62 =	vld [tilespmem:s11+$0xFFFFFE50];
	v36 =	vbroadcast v40, $0x0;
	[tilespmem:v37+s18+$0x0] =	vst.idx.msk $0xffff, v47  }
0x17e: {  	v39 =	vshll.u32 v39, v2;
	v45 =	vbroadcast v45, $0x0;
	v37 =	vld [tilespmem:s11+$0xFFFFFED0];
	v47 =	vadd.s32 v14, v43;
	[tilespmem:v61+s18+$0x0] =	vst.idx.msk $0xffff, v60  }
0x17f: {  	v39 =	vbroadcast v39, $0x0;
	v60 =	vld [tilespmem:s11+$0xFFFFFF90];
	v61 =	vadd.s32 v26, v36;
	[tilespmem:v34+s18+$0x0] =	vst.idx.msk $0xffff, v49  }
0x180: {  	v34 =	vld [tilespmem:s11+$0xFFFFFF10];
	v49 =	vadd.s32 v18, v45;
	[tilespmem:v55+s18+$0x0] =	vst.idx.msk $0xffff, v54  }
0x181: {  	[tilespmem:v59+s18+$0x0] =	vst.idx.msk $0xffff, v58;
	v58 =	vld [tilespmem:s11+$0xFFFFFF50];
	v59 =	vadd.s32 v22, v39  }
0x182: {  	v57 =	vadd.s32 v31, v42;
	[tilespmem:v63+s18+$0x0] =	vst.idx.msk $0xffff, v62;
	v56 =	vld [tilespmem:s11+$0xFFFFFFE0]  }
0x183: {  	v63 =	vadd.s32 v7, v48;
	v62 =	vld [tilespmem:s11+$0xFFFFFE60];
	[tilespmem:v47+s18+$0x0] =	vst.idx.msk $0xffff, v37  }
0x184: {  	v55 =	vadd.s32 v11, v41;
	v54 =	vld [tilespmem:s11+$0xFFFFFEA0];
	[tilespmem:v61+s18+$0x0] =	vst.idx.msk $0xffff, v60  }
0x185: {  	[tilespmem:v49+s18+$0x0] =	vst.idx.msk $0xffff, v34;
	v34 =	vld [tilespmem:s11+$0xFFFFFEE0];
	v49 =	vadd.s32 v15, v43  }
0x186: {  	v61 =	vadd.s32 v27, v36;
	v60 =	vld [tilespmem:s11+$0xFFFFFFA0];
	[tilespmem:v59+s18+$0x0] =	vst.idx.msk $0xffff, v58  }
0x187: {  	[tilespmem:v57+s18+$0x0] =	vst.idx.msk $0xffff, v56;
	v56 =	vld [tilespmem:s11+$0xFFFFFF20];
	v57 =	vadd.s32 v19, v45  }
0x188: {  	[tilespmem:v63+s18+$0x0] =	vst.idx.msk $0xffff, v62;
	v62 =	vld [tilespmem:s11+$0xFFFFFE20];
	v63 =	vadd.s32 v3, v46  }
0x189: {  	v40 =	vadd.s32 v32, v42;
	[tilespmem:v55+s18+$0x0] =	vst.idx.msk $0xffff, v54;
	v35 =	vld [tilespmem:s11+$0xFFFFFFF0]  }
0x18a: {  	v59 =	vadd.s32 v23, v39;
	v58 =	vld [tilespmem:s11+$0xFFFFFF60];
	[tilespmem:v49+s18+$0x0] =	vst.idx.msk $0xffff, v34  }
0x18b: {  	v55 =	vadd.s32 v8, v48;
	v54 =	vld [tilespmem:s11+$0xFFFFFE70];
	[tilespmem:v61+s18+$0x0] =	vst.idx.msk $0xffff, v60  }
0x18c: {  	[tilespmem:v57+s18+$0x0] =	vst.idx.msk $0xffff, v56;
	v56 =	vld [tilespmem:s11+$0xFFFFFEF0];
	v57 =	vadd.s32 v16, v43  }
0x18d: {  	[tilespmem:v63+s18+$0x0] =	vst.idx.msk $0xffff, v62;
	v62 =	vld [tilespmem:s11+$0xFFFFFFB0];
	v63 =	vadd.s32 v28, v36  }
0x18e: {  	v50 =	vadd.s32 v12, v41;
	[tilespmem:v40+s18+$0x0] =	vst.idx.msk $0xffff, v35;
	v40 =	vadd.s32 v33, v42;
	v42 =	vld [tilespmem:s11+$0xFFFFFEB0]  }
0x18f: {  	[tilespmem:v59+s18+$0x0] =	vst.idx.msk $0xffff, v58;
	v59 =	vadd.s32 v20, v45;
	v58 =	vld [tilespmem:s11+$0xFFFFFF30]  }
0x190: {  	v61 =	vadd.s32 v24, v39;
	[tilespmem:v55+s18+$0x0] =	vst.idx.msk $0xffff, v54;
	v60 =	vld [tilespmem:s11+$0xFFFFFF70]  }
0x191: {  	v53 =	vld [tilespmem:s11+$0xFFFFFE30];
	v54 =	vadd.s32 v4, v46;
	[tilespmem:v57+s18+$0x0] =	vst.idx.msk $0xffff, v56  }
0x192: {  	v35 =	vld [tilespmem:s11+$0x0];
	[tilespmem:v63+s18+$0x0] =	vst.idx.msk $0xffff, v62  }
0x193: {  	v48 =	vadd.s32 v9, v48;
	v55 =	vld [tilespmem:s11+$0xFFFFFE80];
	[tilespmem:v50+s18+$0x0] =	vst.idx.msk $0xffff, v42  }
0x194: {  	v43 =	vadd.s32 v17, v43;
	[tilespmem:v59+s18+$0x0] =	vst.idx.msk $0xffff, v58;
	v57 =	vld [tilespmem:s11+$0xFFFFFF00]  }
0x195: {  	v36 =	vadd.s32 v29, v36;
	[tilespmem:v61+s18+$0x0] =	vst.idx.msk $0xffff, v60;
	v61 =	vld [tilespmem:s11+$0xFFFFFFC0]  }
0x196: {  	v41 =	vadd.s32 v13, v41;
	[tilespmem:v54+s18+$0x0] =	vst.idx.msk $0xffff, v53;
	v56 =	vld [tilespmem:s11+$0xFFFFFEC0]  }
0x197: {  	v59 =	vadd.s32 v21, v45;
	[tilespmem:v40+s18+$0x0] =	vst.idx.msk $0xffff, v35;
	v58 =	vld [tilespmem:s11+$0xFFFFFF40]  }
0x198: {  	v39 =	vadd.s32 v25, v39;
	v60 =	vld [tilespmem:s11+$0xFFFFFF80];
	[tilespmem:v48+s18+$0x0] =	vst.idx.msk $0xffff, v55  }
0x199: {  	v63 =	vadd.s32 v5, v46;
	v62 =	vld [tilespmem:s11+$0xFFFFFE40];
	[tilespmem:v43+s18+$0x0] =	vst.idx.msk $0xffff, v57  }
0x19a: {  	[tilespmem:v36+s18+$0x0] =	vst.idx.msk $0xffff, v61  }
0x19b: {  	[tilespmem:v41+s18+$0x0] =	vst.idx.msk $0xffff, v56  }
0x19c: {  	[tilespmem:v59+s18+$0x0] =	vst.idx.msk $0xffff, v58  }
0x19d: {  	[tilespmem:v39+s18+$0x0] =	vst.idx.msk $0xffff, v60  }
0x19e: {  	s0 =	simm.s32 @!p1 $0x2;
	s25 =	sshll.u32 s25, $0x12;
	[tilespmem:v63+s18+$0x0] =	vst.idx.msk $0xffff, v62  }
0x19f: {  	s1 =	sor.u32 s6, s25;
	_ =	swait.ge @!p1 [sflag:s0], $0x2000  }
0x1a0: {  	s1 =	sshrl.u32 s1, $0x3;
	[sflag:s0] =	ssyncset.done @!p1 $0x0  }
0x1a1: {  	s26 =	simm.s32 $0x16A00;
	[sflag:s0] =	ssyncadd.s32 @!p1 $0xFFFFE000;
	s0 =	sadd.s32 s2, s1  }
0x1a2: {  	[hbm4b:s0+s3] =	stream.linear.scatter [tilespmem:s26], [sflag:$0x2], $0x80, $0x38;
	[tilespmem:$0x18C00] =	vst v63  }
0x1a3: {  	s29 =	simm.s32 $0x16A88;
	s10 =	sadd.s32 $0x10, s0  }
0x1a4: {  	[hbm4b:s10+s3] =	stream.linear.scatter [tilespmem:s29], [sflag:$0x2], $0x80, $0x38;
	[tilespmem:$0x18C00] =	vst v63  }
0x1a5: {  	s30 =	simm.s32 $0x16B10;
	s24 =	simm.s32 $0x16C20;
	s31 =	sadd.s32 $0x20, s0  }
0x1a6: {  	[hbm4b:s31+s3] =	stream.linear.scatter [tilespmem:s30], [sflag:$0x2], $0x80, $0x38;
	[tilespmem:$0x18C00] =	vst v63  }
0x1a7: {  	s1 =	simm.s32 $0x2200;
	s11 =	sadd.s32 $0x30, s0;
	s10 =	simm.s32 $0x16B98  }
0x1a8: {  	[hbm4b:s11+s3] =	stream.linear.scatter [tilespmem:s10], [sflag:$0x2], $0x80, $0x38;
	[tilespmem:$0x18C00] =	vst v63  }
0x1a9: {  	s25 =	sadd.s32 $0x40, s0;
	s26 =	simm.s32 $0x16CA8;
	s28 =	sadd.s32 $0x70, s0  }
0x1aa: {  	[hbm4b:s25+s3] =	stream.linear.scatter [tilespmem:s24], [sflag:$0x2], $0x80, $0x38;
	[tilespmem:$0x18C00] =	vst v63  }
0x1ab: {  	s29 =	sadd.s32 $0x50, s0;
	s30 =	simm.s32 $0x16D30;
	s31 =	sadd.s32 $0x60, s0  }
0x1ac: {  	[hbm4b:s29+s3] =	stream.linear.scatter [tilespmem:s26], [sflag:$0x2], $0x80, $0x38;
	[tilespmem:$0x18C00] =	vst v63  }
0x1ad: {  	s24 =	simm.s32 $0x440;
	s25 =	sadd.s32 $0x1000, s0;
	s26 =	simm.s32 $0x16DB8  }
0x1ae: {  	[hbm4b:s31+s3] =	stream.linear.scatter [tilespmem:s30], [sflag:$0x2], $0x80, $0x38;
	[tilespmem:$0x18C00] =	vst v63  }
.LBB2_11:
0x1af: {  	[hbm4b:s28+s3] =	stream.linear.scatter [tilespmem:s26], [sflag:$0x2], $0x80, $0x38;
	[tilespmem:$0x18C00] =	vst v63  }
0x1b0: {  	s0 =	smov.u32 s24;
	s10 =	smov.u32 s1  }
0x1b1: {  	s24 =	sshra.s32 s10, $0x2;
	s10 =	sadd.s32 $0x1100, s1;
	s11 =	sadd.s32 $0x16A00, s0  }
0x1b2: {  	[hbm4b:s25+s3] =	stream.linear.scatter [tilespmem:s11], [sflag:$0x2], $0x80, $0x38;
	[tilespmem:$0x18C00] =	vst v63  }
0x1b3: {  	p1 =	sne.s32 s1, $0x7700;
	s1 =	sadd.s32 $0x16A88, s0;
	s11 =	sadd.s32 $0x10, s25  }
0x1b4: {  	[hbm4b:s11+s3] =	stream.linear.scatter [tilespmem:s1], [sflag:$0x2], $0x80, $0x38;
	[tilespmem:$0x18C00] =	vst v63  }
0x1b5: {  	s1 =	sadd.s32 $0x16B10, s0;
	s11 =	sadd.s32 $0x20, s25  }
0x1b6: {  	[hbm4b:s11+s3] =	stream.linear.scatter [tilespmem:s1], [sflag:$0x2], $0x80, $0x38;
	[tilespmem:$0x18C00] =	vst v63  }
0x1b7: {  	s1 =	sadd.s32 $0x16B98, s0;
	s11 =	sadd.s32 $0x30, s25  }
0x1b8: {  	[hbm4b:s11+s3] =	stream.linear.scatter [tilespmem:s1], [sflag:$0x2], $0x80, $0x38;
	[tilespmem:$0x18C00] =	vst v63  }
0x1b9: {  	s1 =	sadd.s32 $0x16C20, s0;
	s11 =	sadd.s32 $0x40, s25  }
0x1ba: {  	[hbm4b:s11+s3] =	stream.linear.scatter [tilespmem:s1], [sflag:$0x2], $0x80, $0x38;
	[tilespmem:$0x18C00] =	vst v63  }
.Ltmp4:
0x1bb: {  	s1 =	sadd.s32 $0x16CA8, s0;
	s11 =	sadd.s32 $0x50, s25;
	(pc) =	sbr.rel @p1 .LBB2_11-.Ltmp4, $4  }
0x1bc: {  	[hbm4b:s11+s3] =	stream.linear.scatter [tilespmem:s1], [sflag:$0x2], $0x80, $0x38;
	[tilespmem:$0x18C00] =	vst v63  }
0x1bd: {  	s28 =	sadd.s32 $0x70, s25;
	s1 =	sadd.s32 $0x16D30, s0;
	s11 =	sadd.s32 $0x60, s25  }
0x1be: {  	[hbm4b:s11+s3] =	stream.linear.scatter [tilespmem:s1], [sflag:$0x2], $0x80, $0x38;
	[tilespmem:$0x18C00] =	vst v63  }
0x1bf: {  	s26 =	sadd.s32 $0x16DB8, s0;
	s25 =	sadd.s32 $0x1000, s25;
	s1 =	smov.u32 s10  }
0x1c0: {  	[hbm4b:s28+s3] =	stream.linear.scatter [tilespmem:s26], [sflag:$0x2], $0x80, $0x38;
	[tilespmem:$0x18C00] =	vst v63  }
0x1c1: {  	s0 =	sadd.s32 $0x16A00, s24  }
0x1c2: {  	[hbm4b:s25+s3] =	stream.linear.scatter [tilespmem:s0], [sflag:$0x2], $0x80, $0x38;
	[tilespmem:$0x18C00] =	vst v63  }
0x1c3: {  	s26 =	sadd.s32 $0x16A88, s24;
	s1 =	sadd.s32 $0x10, s25  }
0x1c4: {  	[hbm4b:s1+s3] =	stream.linear.scatter [tilespmem:s26], [sflag:$0x2], $0x80, $0x38;
	[tilespmem:$0x18C00] =	vst v63  }
0x1c5: {  	s28 =	sadd.s32 $0x16B10, s24;
	s29 =	sadd.s32 $0x20, s25  }
0x1c6: {  	[hbm4b:s29+s3] =	stream.linear.scatter [tilespmem:s28], [sflag:$0x2], $0x80, $0x38;
	[tilespmem:$0x18C00] =	vst v63  }
0x1c7: {  	s30 =	sadd.s32 $0x16B98, s24;
	s31 =	sadd.s32 $0x30, s25  }
0x1c8: {  	[hbm4b:s31+s3] =	stream.linear.scatter [tilespmem:s30], [sflag:$0x2], $0x80, $0x38;
	[tilespmem:$0x18C00] =	vst v63  }
0x1c9: {  	s10 =	sadd.s32 $0x40, s25;
	s23 =	sadd.s32 $0x1, s23;
	s1 =	sadd.s32 $0x16C20, s24  }
0x1ca: {  	[hbm4b:s10+s3] =	stream.linear.scatter [tilespmem:s1], [sflag:$0x2], $0x80, $0x38;
	[tilespmem:$0x18C00] =	vst v63  }
0x1cb: {  	s11 =	sadd.s32 $0x16CA8, s24;
	p1 =	sne.s32 s23, $0x64;
	s26 =	sadd.s32 $0x50, s25  }
0x1cc: {  	[hbm4b:s26+s3] =	stream.linear.scatter [tilespmem:s11], [sflag:$0x2], $0x80, $0x38;
	[tilespmem:$0x18C00] =	vst v63  }
.Ltmp5:
0x1cd: {  	_ = 	snop;
	(pc) =	sbr.rel @p1 .LBB2_4-.Ltmp5, $4  }
0x1ce: {  	p0 =	por !p0, !p0;
	s28 =	sadd.s32 $0x16D30, s24;
	s29 =	sadd.s32 $0x60, s25  }
0x1cf: {  	[hbm4b:s29+s3] =	stream.linear.scatter [tilespmem:s28], [sflag:$0x2], $0x80, $0x38;
	[tilespmem:$0x18C00] =	vst v63  }
0x1d0: {  	s22 =	sadd.s32 $0x2, s22;
	s30 =	sadd.s32 $0x16DB8, s24;
	s31 =	sadd.s32 $0x70, s25  }
0x1d1: {  	[hbm4b:s31+s3] =	stream.linear.scatter [tilespmem:s30], [sflag:$0x2], $0x80, $0x38;
	[tilespmem:$0x18C00] =	vst v63  }
0x1d2: {  	s20 =	sadd.s32 $0x1, s20  }
0x1d3: {  	_ =	swait.ge [sflag:s19], $0x2000;
	p0 =	sne.s32 s20, s7  }
.Ltmp6:
0x1d4: {  	[sflag:s19] =	ssyncset.done $0x0;
	(pc) =	sbr.rel @p0 .LBB2_1-.Ltmp6, $4  }
0x1d5: {  	[sflag:s19] =	ssyncadd.s32 $0xFFFFE000  }
0x1d6: {  	_ =	swait.ge [sflag:s19], $0x2000  }
0x1d7: {  	[sflag:s19] =	ssyncset.done $0x0  }
0x1d8: {  	[sflag:s19] =	ssyncadd.s32 $0xFFFFE000  }
0x1d9: {  	_ =	sfence.sel $0x180000  }
0x1da: {  	[bflag:$0x0] =	sbarrier.arrive $0xFFFF  }
0x1db: {  	_ =	strace $0x90000047  }
0x1dc: {  	s0 =	stileid.u32;
	[bflag:$0x2] =	sbarrier.arrive $0xFFFF  }
0x1dd: {  	p0 =	sne.s32 s0, $0x0;
	s0 =	rddreg [dreg:$0x2]  }
0x1de: {  	s0 =	sadd.s32 @!p0 $0x100000, s0  }
0x1df: {  	[sflag:s0] =	ssyncadd.tile.s32 @!p0 $0x1;
	_ =	shalt  }
.Lfunc_end2:
_tile_overlayer_lowered:
.L_overlay_start_2:
0x1e0: {  	(tag) =	ssettag $0x2  }
0x1e1: {  	s0 =	rddreg [dreg:$0x0];
	s2 =	stileid.u32  }
0x1e2: {  	s1 =	rddreg [dreg:$0x1];
	p0 =	sne.s32 s2, $0x0  }
0x1e3: {  	s3 =	rddreg [dreg:$0x2];
	[bflag:$0x3] =	sbarrier.arrive $0xFFFF;
	s2 =	simm.s32 @!p0 $0x1C03  }
0x1e4: {  	[timem:s3], [sflag:s2] =	dma.local @!p0 [hbm:s0], s1  }
0x1e5: {  	s0 =	simm.s32 @!p0 $0x3  }
0x1e6: {  	_ =	swait.ge @!p0 [sflag:s0], s1  }
0x1e7: {  	s1 =	ssub.s32 @!p0 $0x0, s1;
	[sflag:s0] =	ssyncset.done @!p0 $0x0  }
0x1e8: {  	[sflag:s0] =	ssyncadd.s32 @!p0 s1  }
0x1e9: {  	[bflag:$0x3] =	sbarrier.arrive $0xFFFF  }
0x1ea: {  	_ =	shalt  }

</sc_bundles>
